<compile_context>
chip_gen: v7x
topology: tpu7x:2x2x1
jax: 0.10.2.dev20260603
libtpu: 0.0.44.dev20260713+nightly
codegen_flags: <defaults>
</compile_context>

<pallas_src>
import functools

import jax
import jax.numpy as jnp
from jax import lax
from jax.experimental import pallas as pl
from jax.experimental.pallas import tpu as pltpu
from jax.experimental.pallas import tpu_sc as plsc

V, D, R = 1_000_000, 64, 16
SCALING = 2.0
DP = 2 * D

MCHUNK = 8064
MSTEPS = 124
VTAIL = V - MSTEPS * MCHUNK
VEC = 128
CHUNK_VECS = 4
CHUNK = CHUNK_VECS * VEC
BT = 8192


def _merge_step(rhs_ref, tab_tail_ref, a_tail_ref,
                tt_hbm, a_hbm, out_hbm,
                cat_v, out_v, tail_v, in_sem, out_sem, tail_sem):
    i = pl.program_id(0)
    slot = lax.rem(i, 2)
    nxt = lax.rem(i + 1, 2)

    def start_in(step, s):
        off = step * MCHUNK
        pltpu.make_async_copy(
            tt_hbm.at[:, pl.ds(off, MCHUNK)],
            cat_v.at[s, pl.ds(0, D)], in_sem.at[s],
        ).start()
        pltpu.make_async_copy(
            a_hbm.at[:, pl.ds(off, MCHUNK)],
            cat_v.at[s, pl.ds(D, R)], in_sem.at[s],
        ).start()

    def wait_in(s):
        pltpu.make_async_copy(
            tt_hbm.at[:, pl.ds(0, MCHUNK)],
            cat_v.at[s, pl.ds(0, D)], in_sem.at[s],
        ).wait()
        pltpu.make_async_copy(
            a_hbm.at[:, pl.ds(0, MCHUNK)],
            cat_v.at[s, pl.ds(D, R)], in_sem.at[s],
        ).wait()

    def out_copy(step, s):
        return pltpu.make_async_copy(
            out_v.at[s],
            out_hbm.at[pl.ds(step * MCHUNK, MCHUNK)],
            out_sem.at[s],
        )

    @pl.when(i == 0)
    def _():
        start_in(0, 0)

    @pl.when(i + 1 < MSTEPS)
    def _():
        start_in(i + 1, nxt)

    wait_in(slot)

    res = lax.dot_general(
        cat_v[slot], rhs_ref[...],
        dimension_numbers=(((0,), (0,)), ((), ())),
        preferred_element_type=jnp.float32,
    )

    @pl.when(i >= 2)
    def _():
        out_copy(i - 2, slot).wait()

    out_v[slot, :, pl.ds(0, D)] = res
    out_copy(i, slot).start()

    @pl.when(i == MSTEPS - 1)
    def _():
        lora_tail = lax.dot_general(
            a_tail_ref[...], rhs_ref[pl.ds(D, R), :],
            dimension_numbers=(((0,), (0,)), ((), ())),
            preferred_element_type=jnp.float32,
        )
        tail_v[:, pl.ds(0, D)] = tab_tail_ref[...] + lora_tail
        tail_cp = pltpu.make_async_copy(
            tail_v,
            out_hbm.at[pl.ds(MSTEPS * MCHUNK, VTAIL)], tail_sem)
        tail_cp.start()
        out_copy(i - 1, nxt).wait()
        out_copy(i, slot).wait()
        tail_cp.wait()


def _merge(table_t, lora_a, rhs, tab_tail, a_tail):
    return pl.pallas_call(
        _merge_step,
        grid=(MSTEPS,),
        in_specs=[
            pl.BlockSpec((D + R, D), lambda i: (0, 0)),
            pl.BlockSpec((VTAIL, D), lambda i: (0, 0)),
            pl.BlockSpec((R, VTAIL), lambda i: (0, 0)),
            pl.BlockSpec(memory_space=pl.ANY),
            pl.BlockSpec(memory_space=pl.ANY),
        ],
        out_specs=pl.BlockSpec(memory_space=pl.ANY),
        out_shape=jax.ShapeDtypeStruct((V, DP), jnp.float32),
        scratch_shapes=[
            pltpu.VMEM((2, D + R, MCHUNK), jnp.float32),
            pltpu.VMEM((2, MCHUNK, DP), jnp.float32),
            pltpu.VMEM((VTAIL, DP), jnp.float32),
            pltpu.SemaphoreType.DMA((2,)),
            pltpu.SemaphoreType.DMA((2,)),
            pltpu.SemaphoreType.DMA,
        ],
    )(rhs, tab_tail, a_tail, table_t, lora_a)


def _gather_rows(merged, idx2d, n_tokens):
    info = plsc.get_sparse_core_info()
    nw = info.num_cores * info.num_subcores
    vecs_total = idx2d.shape[0]
    vecs_per_w = vecs_total // nw
    steps = vecs_per_w // CHUNK_VECS
    mesh = plsc.VectorSubcoreMesh(core_axis_name="c", subcore_axis_name="s")

    @functools.partial(
        pl.kernel,
        mesh=mesh,
        out_type=jax.ShapeDtypeStruct((n_tokens, DP), jnp.float32),
        scratch_types=[
            pltpu.VMEM((CHUNK_VECS, VEC), jnp.int32),
            pltpu.VMEM((CHUNK, DP), jnp.float32),
            pltpu.SemaphoreType.DMA,
        ],
    )
    def k(idx_hbm, merged_hbm, out_hbm, idx_v, rows_v, sem):
        wid = lax.axis_index("s") * info.num_cores + lax.axis_index("c")
        vec_base = wid * vecs_per_w

        def step(g, carry):
            v0 = vec_base + g * CHUNK_VECS
            pltpu.sync_copy(idx_hbm.at[pl.ds(v0, CHUNK_VECS)], idx_v)
            copies = [
                pltpu.async_copy(
                    merged_hbm.at[idx_v.at[j]],
                    rows_v.at[pl.ds(j * VEC, VEC)],
                    sem,
                )
                for j in range(CHUNK_VECS)
            ]
            for c in copies:
                c.wait()
            pltpu.sync_copy(rows_v, out_hbm.at[pl.ds(v0 * VEC, CHUNK)])
            return carry

        lax.fori_loop(0, steps, step, None)

    return k(idx2d, merged)


def _relayout_step(in_ref, out_ref):
    x = in_ref[0, :, pl.ds(0, D)]
    out_ref[0] = x.T


def _relayout_half_first(sc3, n_b, n_l, l_cnt):
    return pl.pallas_call(
        _relayout_step,
        grid=(l_cnt, n_b // BT),
        in_specs=[
            pl.BlockSpec((1, BT, DP), lambda l, j: (l, j, 0)),
        ],
        out_specs=pl.BlockSpec((1, D, BT), lambda l, j: (l, 0, j)),
        out_shape=jax.ShapeDtypeStruct((n_l, D, n_b), jnp.float32),
    )(sc3)


def _relayout_half_second(sc3, y_prev, n_b, n_l, l_off):
    def step(in_ref, prev_ref, out_ref):
        _relayout_step(in_ref, out_ref)

    l_cnt = n_l - l_off
    return pl.pallas_call(
        step,
        grid=(l_cnt, n_b // BT),
        in_specs=[
            pl.BlockSpec((1, BT, DP), lambda l, j: (l, j, 0)),
            pl.BlockSpec(memory_space=pl.ANY),
        ],
        out_specs=pl.BlockSpec((1, D, BT), lambda l, j: (l + l_off, 0, j)),
        out_shape=jax.ShapeDtypeStruct((n_l, D, n_b), jnp.float32),
        input_output_aliases={1: 0},
    )(sc3, y_prev)


def kernel(indices, table, lora_embedding_A, lora_embedding_B):
    b, l = indices.shape
    n = b * l
    rhs = jnp.concatenate(
        [jnp.eye(D, dtype=jnp.float32),
         SCALING * lora_embedding_B.T], axis=0)
    tab_tail = lax.slice(table, (MSTEPS * MCHUNK, 0), (V, D))
    a_tail = lax.slice(lora_embedding_A, (0, MSTEPS * MCHUNK), (R, V))
    merged = _merge(table.T, lora_embedding_A, rhs, tab_tail, a_tail)
    idx2d = indices.T.astype(jnp.int32).reshape(n // VEC, VEC)
    lh = l // 2
    nh = lh * b
    vh = nh // VEC
    sc1 = _gather_rows(merged, lax.slice(idx2d, (0, 0), (vh, VEC)), nh)
    sc2 = _gather_rows(
        merged, lax.slice(idx2d, (vh, 0), (2 * vh, VEC)), nh)
    y1 = _relayout_half_first(sc1.reshape(lh, b, DP), b, l, lh)
    y = _relayout_half_second(sc2.reshape(lh, b, DP), y1, b, l, lh)
    return y.transpose(2, 0, 1)

# --- scband reference (transcript-rebuilt; emitter-appended) ---
"""Pipeline reference for scband-embedding-13365938225581 (READ-ONLY COPY).

The authoritative reference and input builder live on the scoring server;
editing this copy changes nothing except your own understanding.
"""

import jax, jax.numpy as jnp
import numpy as np

V, D, R = 1000000, 64, 16
B, L = 16384, 50
LORA_ALPHA = 32
SCALING = LORA_ALPHA / R  # peft lora scaling = alpha / r


def setup_inputs(seed: int = 0) -> dict:
    key = jax.random.key(seed)
    k1, k2, k3, k4 = jax.random.split(key, 4)
    indices = jax.random.randint(k1, (B, L), 0, V, dtype=jnp.int64 if jax.config.jax_enable_x64 else jnp.int32)
    table = jax.random.normal(k2, (V, D), dtype=jnp.float32)
    # peft stores lora_embedding_A as [r, num_embeddings] and lora_embedding_B as [embedding_dim, r]
    lora_embedding_A = jax.random.normal(k3, (R, V), dtype=jnp.float32) * 0.01
    lora_embedding_B = jax.random.normal(k4, (D, R), dtype=jnp.float32)
    return {
        "indices": indices,
        "table": table,
        "lora_embedding_A": lora_embedding_A,
        "lora_embedding_B": lora_embedding_B,
    }


def reference(indices, table, lora_embedding_A, lora_embedding_B):
    # base_layer forward: standard embedding lookup
    base = jnp.take(table, indices, axis=0)  # [B, L, D]
    # LoRA path (peft Embedding.forward):
    #   after_A = F.embedding(x, lora_embedding_A.T)  -> [B, L, r]
    #   result += (after_A @ lora_embedding_B.T) * scaling
    after_A = jnp.take(lora_embedding_A.T, indices, axis=0)  # [B, L, r]
    lora_out = after_A @ lora_embedding_B.T  # [B, L, D]
    return base + lora_out * SCALING

if __name__ == "__main__":
    import jax
    _d = setup_inputs()
    print(jax.jit(kernel)(*tuple(_d.values())))

</pallas_src>

<mosaic_0001>
#map = affine_map<(d0, d1) -> (0, 0)>
module attributes {stable_mosaic.version = 14 : i64} {
  func.func @k(%arg0: i32, %arg1: i32, %arg2: memref<3200x128xi32, #tpu.memory_space<hbm>>, %arg3: memref<1000000x128xf32, #tpu.memory_space<hbm>>, %arg4: memref<409600x128xf32, #tpu.memory_space<hbm>>, %arg5: memref<4x128xi32, #tpu.memory_space<vmem>>, %arg6: memref<512x128xf32, #tpu.memory_space<vmem>>, %arg7: memref<!tpu.dma_semaphore, #tpu.memory_space<semaphore_mem>>) attributes {dimension_semantics = [#tpu.dimension_semantics<core_parallel>, #tpu.dimension_semantics<subcore_parallel>], iteration_bounds = array<i64: 2, 16>, scalar_prefetch = 0 : i64, scratch_operands = 3 : i64, tpu.core_type = #tpu.core_type<sc_vector_subcore>, window_params = [{transform_indices = #map}, {transform_indices = #map}, {transform_indices = #map}]} {
    %mul3A = arith.constant 2 : i32
    %mul3A_0 = arith.muli %arg1, %mul3A : i32
    %add3A = arith.addi %mul3A_0, %arg0 : i32
    %mul3A_1 = arith.constant 100 : i32
    %mul3A_2 = arith.muli %add3A, %mul3A_1 : i32
    %scan3A = arith.constant 0 : i32
    %scan3A_3 = arith.constant 25 : i32
    %scan3A_4 = arith.addi %scan3A, %scan3A_3 : i32
    %scan3A_5 = arith.constant 1 : i32
    scf.for %scan3A_7 = %scan3A to %scan3A_4 step %scan3A_5  : i32 {
      %mul3A_8 = arith.constant 4 : i32
      %mul3A_9 = arith.muli %scan3A_7, %mul3A_8 : i32
      %add3A_10 = arith.addi %mul3A_2, %mul3A_9 : i32
      "tpu.region"() ({
        %run_scoped3A = tpu.sem_alloc : memref<!tpu.dma_semaphore, #tpu.memory_space<semaphore_mem>>
        %dma_start3A_91 = arith.constant 0 : i32
        %dma_start3A_92 = tpu.memref_slice %arg2[%add3A_10, %dma_start3A_91] : memref<3200x128xi32, #tpu.memory_space<hbm>> -> memref<4x128xi32, #tpu.memory_space<hbm>>
        %dma_start3A_93 = arith.constant 0 : i32
        %dma_start3A_94 = tpu.memref_slice %arg2[%add3A_10, %dma_start3A_93] : memref<3200x128xi32, #tpu.memory_space<hbm>> -> memref<4x128xi32, #tpu.memory_space<hbm>>
        tpu.enqueue_dma source(%dma_start3A_94 : memref<4x128xi32, #tpu.memory_space<hbm>>) target(%arg5 : memref<4x128xi32, #tpu.memory_space<vmem>>) target_semaphore(%run_scoped3A : memref<!tpu.dma_semaphore, #tpu.memory_space<semaphore_mem>>)
        %dma_wait3A_95 = arith.constant 0 : i32
        %dma_wait3A_96 = tpu.memref_slice %arg2[%add3A_10, %dma_wait3A_95] : memref<3200x128xi32, #tpu.memory_space<hbm>> -> memref<4x128xi32, #tpu.memory_space<hbm>>
        %dma_wait3A_97 = arith.constant 0 : i32
        %dma_wait3A_98 = tpu.memref_slice %arg2[%add3A_10, %dma_wait3A_97] : memref<3200x128xi32, #tpu.memory_space<hbm>> -> memref<4x128xi32, #tpu.memory_space<hbm>>
        tpu.wait_dma2 semaphore(%run_scoped3A : memref<!tpu.dma_semaphore, #tpu.memory_space<semaphore_mem>>) src(%dma_wait3A_98 : memref<4x128xi32, #tpu.memory_space<hbm>>) dst(%arg5 : memref<4x128xi32, #tpu.memory_space<vmem>>)
        tpu.yield
      }) : () -> ()
      %dma_start3A = arith.constant 0 : i32
      %dma_start3A_11 = arith.constant 0 : i32
      %dma_start3A_12 = arith.constant 0 : i32
      %dma_start3A_13 = tpu.memref_slice %arg6[%dma_start3A_11, %dma_start3A_12] : memref<512x128xf32, #tpu.memory_space<vmem>> -> memref<128x128xf32, #tpu.memory_space<vmem>>
      %dma_start3A_14 = arith.constant 0 : i32
      %dma_start3A_15 = tpu.memref_slice %arg5[%dma_start3A, %dma_start3A_14] : memref<4x128xi32, #tpu.memory_space<vmem>> -> memref<1x128xi32, #tpu.memory_space<vmem>>
      %dma_start3A_16 = tpu.memref_squeeze %dma_start3A_15 : memref<1x128xi32, #tpu.memory_space<vmem>> -> memref<128xi32, #tpu.memory_space<vmem>>
      %dma_start3A_17 = arith.constant 0 : i32
      %dma_start3A_18 = arith.constant 0 : i32
      %dma_start3A_19 = tpu.memref_slice %arg3[%dma_start3A_17, %dma_start3A_18] : memref<1000000x128xf32, #tpu.memory_space<hbm>> -> memref<1000000x128xf32, #tpu.memory_space<hbm>>
      tpu.enqueue_indirect_dma source(%dma_start3A_19 : memref<1000000x128xf32, #tpu.memory_space<hbm>>) target(%dma_start3A_13 : memref<128x128xf32, #tpu.memory_space<vmem>>) offsets(%dma_start3A_16 : memref<128xi32, #tpu.memory_space<vmem>>) semaphore(%arg7 : memref<!tpu.dma_semaphore, #tpu.memory_space<semaphore_mem>>)
      %dma_start3A_20 = arith.constant 1 : i32
      %dma_start3A_21 = arith.constant 128 : i32
      %dma_start3A_22 = arith.constant 0 : i32
      %dma_start3A_23 = tpu.memref_slice %arg6[%dma_start3A_21, %dma_start3A_22] : memref<512x128xf32, #tpu.memory_space<vmem>> -> memref<128x128xf32, #tpu.memory_space<vmem>>
      %dma_start3A_24 = arith.constant 0 : i32
      %dma_start3A_25 = tpu.memref_slice %arg5[%dma_start3A_20, %dma_start3A_24] : memref<4x128xi32, #tpu.memory_space<vmem>> -> memref<1x128xi32, #tpu.memory_space<vmem>>
      %dma_start3A_26 = tpu.memref_squeeze %dma_start3A_25 : memref<1x128xi32, #tpu.memory_space<vmem>> -> memref<128xi32, #tpu.memory_space<vmem>>
      %dma_start3A_27 = arith.constant 0 : i32
      %dma_start3A_28 = arith.constant 0 : i32
      %dma_start3A_29 = tpu.memref_slice %arg3[%dma_start3A_27, %dma_start3A_28] : memref<1000000x128xf32, #tpu.memory_space<hbm>> -> memref<1000000x128xf32, #tpu.memory_space<hbm>>
      tpu.enqueue_indirect_dma source(%dma_start3A_29 : memref<1000000x128xf32, #tpu.memory_space<hbm>>) target(%dma_start3A_23 : memref<128x128xf32, #tpu.memory_space<vmem>>) offsets(%dma_start3A_26 : memref<128xi32, #tpu.memory_space<vmem>>) semaphore(%arg7 : memref<!tpu.dma_semaphore, #tpu.memory_space<semaphore_mem>>)
      %dma_start3A_30 = arith.constant 2 : i32
      %dma_start3A_31 = arith.constant 256 : i32
      %dma_start3A_32 = arith.constant 0 : i32
      %dma_start3A_33 = tpu.memref_slice %arg6[%dma_start3A_31, %dma_start3A_32] : memref<512x128xf32, #tpu.memory_space<vmem>> -> memref<128x128xf32, #tpu.memory_space<vmem>>
      %dma_start3A_34 = arith.constant 0 : i32
      %dma_start3A_35 = tpu.memref_slice %arg5[%dma_start3A_30, %dma_start3A_34] : memref<4x128xi32, #tpu.memory_space<vmem>> -> memref<1x128xi32, #tpu.memory_space<vmem>>
      %dma_start3A_36 = tpu.memref_squeeze %dma_start3A_35 : memref<1x128xi32, #tpu.memory_space<vmem>> -> memref<128xi32, #tpu.memory_space<vmem>>
      %dma_start3A_37 = arith.constant 0 : i32
      %dma_start3A_38 = arith.constant 0 : i32
      %dma_start3A_39 = tpu.memref_slice %arg3[%dma_start3A_37, %dma_start3A_38] : memref<1000000x128xf32, #tpu.memory_space<hbm>> -> memref<1000000x128xf32, #tpu.memory_space<hbm>>
      tpu.enqueue_indirect_dma source(%dma_start3A_39 : memref<1000000x128xf32, #tpu.memory_space<hbm>>) target(%dma_start3A_33 : memref<128x128xf32, #tpu.memory_space<vmem>>) offsets(%dma_start3A_36 : memref<128xi32, #tpu.memory_space<vmem>>) semaphore(%arg7 : memref<!tpu.dma_semaphore, #tpu.memory_space<semaphore_mem>>)
      %dma_start3A_40 = arith.constant 3 : i32
      %dma_start3A_41 = arith.constant 384 : i32
      %dma_start3A_42 = arith.constant 0 : i32
      %dma_start3A_43 = tpu.memref_slice %arg6[%dma_start3A_41, %dma_start3A_42] : memref<512x128xf32, #tpu.memory_space<vmem>> -> memref<128x128xf32, #tpu.memory_space<vmem>>
      %dma_start3A_44 = arith.constant 0 : i32
      %dma_start3A_45 = tpu.memref_slice %arg5[%dma_start3A_40, %dma_start3A_44] : memref<4x128xi32, #tpu.memory_space<vmem>> -> memref<1x128xi32, #tpu.memory_space<vmem>>
      %dma_start3A_46 = tpu.memref_squeeze %dma_start3A_45 : memref<1x128xi32, #tpu.memory_space<vmem>> -> memref<128xi32, #tpu.memory_space<vmem>>
      %dma_start3A_47 = arith.constant 0 : i32
      %dma_start3A_48 = arith.constant 0 : i32
      %dma_start3A_49 = tpu.memref_slice %arg3[%dma_start3A_47, %dma_start3A_48] : memref<1000000x128xf32, #tpu.memory_space<hbm>> -> memref<1000000x128xf32, #tpu.memory_space<hbm>>
      tpu.enqueue_indirect_dma source(%dma_start3A_49 : memref<1000000x128xf32, #tpu.memory_space<hbm>>) target(%dma_start3A_43 : memref<128x128xf32, #tpu.memory_space<vmem>>) offsets(%dma_start3A_46 : memref<128xi32, #tpu.memory_space<vmem>>) semaphore(%arg7 : memref<!tpu.dma_semaphore, #tpu.memory_space<semaphore_mem>>)
      %dma_wait3A = arith.constant 0 : i32
      %dma_wait3A_50 = arith.constant 0 : i32
      %dma_wait3A_51 = arith.constant 0 : i32
      %dma_wait3A_52 = tpu.memref_slice %arg6[%dma_wait3A_50, %dma_wait3A_51] : memref<512x128xf32, #tpu.memory_space<vmem>> -> memref<128x128xf32, #tpu.memory_space<vmem>>
      %dma_wait3A_53 = arith.constant 0 : i32
      %dma_wait3A_54 = tpu.memref_slice %arg5[%dma_wait3A, %dma_wait3A_53] : memref<4x128xi32, #tpu.memory_space<vmem>> -> memref<1x128xi32, #tpu.memory_space<vmem>>
      %dma_wait3A_55 = tpu.memref_squeeze %dma_wait3A_54 : memref<1x128xi32, #tpu.memory_space<vmem>> -> memref<128xi32, #tpu.memory_space<vmem>>
      %dma_wait3A_56 = arith.constant 0 : i32
      %dma_wait3A_57 = arith.constant 0 : i32
      %dma_wait3A_58 = tpu.memref_slice %arg3[%dma_wait3A_56, %dma_wait3A_57] : memref<1000000x128xf32, #tpu.memory_space<hbm>> -> memref<1000000x128xf32, #tpu.memory_space<hbm>>
      tpu.wait_indirect_dma semaphore(%arg7 : memref<!tpu.dma_semaphore, #tpu.memory_space<semaphore_mem>>) src(%dma_wait3A_58 : memref<1000000x128xf32, #tpu.memory_space<hbm>>) dst(%dma_wait3A_52 : memref<128x128xf32, #tpu.memory_space<vmem>>)
      %dma_wait3A_59 = arith.constant 1 : i32
      %dma_wait3A_60 = arith.constant 128 : i32
      %dma_wait3A_61 = arith.constant 0 : i32
      %dma_wait3A_62 = tpu.memref_slice %arg6[%dma_wait3A_60, %dma_wait3A_61] : memref<512x128xf32, #tpu.memory_space<vmem>> -> memref<128x128xf32, #tpu.memory_space<vmem>>
      %dma_wait3A_63 = arith.constant 0 : i32
      %dma_wait3A_64 = tpu.memref_slice %arg5[%dma_wait3A_59, %dma_wait3A_63] : memref<4x128xi32, #tpu.memory_space<vmem>> -> memref<1x128xi32, #tpu.memory_space<vmem>>
      %dma_wait3A_65 = tpu.memref_squeeze %dma_wait3A_64 : memref<1x128xi32, #tpu.memory_space<vmem>> -> memref<128xi32, #tpu.memory_space<vmem>>
      %dma_wait3A_66 = arith.constant 0 : i32
      %dma_wait3A_67 = arith.constant 0 : i32
      %dma_wait3A_68 = tpu.memref_slice %arg3[%dma_wait3A_66, %dma_wait3A_67] : memref<1000000x128xf32, #tpu.memory_space<hbm>> -> memref<1000000x128xf32, #tpu.memory_space<hbm>>
      tpu.wait_indirect_dma semaphore(%arg7 : memref<!tpu.dma_semaphore, #tpu.memory_space<semaphore_mem>>) src(%dma_wait3A_68 : memref<1000000x128xf32, #tpu.memory_space<hbm>>) dst(%dma_wait3A_62 : memref<128x128xf32, #tpu.memory_space<vmem>>)
      %dma_wait3A_69 = arith.constant 2 : i32
      %dma_wait3A_70 = arith.constant 256 : i32
      %dma_wait3A_71 = arith.constant 0 : i32
      %dma_wait3A_72 = tpu.memref_slice %arg6[%dma_wait3A_70, %dma_wait3A_71] : memref<512x128xf32, #tpu.memory_space<vmem>> -> memref<128x128xf32, #tpu.memory_space<vmem>>
      %dma_wait3A_73 = arith.constant 0 : i32
      %dma_wait3A_74 = tpu.memref_slice %arg5[%dma_wait3A_69, %dma_wait3A_73] : memref<4x128xi32, #tpu.memory_space<vmem>> -> memref<1x128xi32, #tpu.memory_space<vmem>>
      %dma_wait3A_75 = tpu.memref_squeeze %dma_wait3A_74 : memref<1x128xi32, #tpu.memory_space<vmem>> -> memref<128xi32, #tpu.memory_space<vmem>>
      %dma_wait3A_76 = arith.constant 0 : i32
      %dma_wait3A_77 = arith.constant 0 : i32
      %dma_wait3A_78 = tpu.memref_slice %arg3[%dma_wait3A_76, %dma_wait3A_77] : memref<1000000x128xf32, #tpu.memory_space<hbm>> -> memref<1000000x128xf32, #tpu.memory_space<hbm>>
      tpu.wait_indirect_dma semaphore(%arg7 : memref<!tpu.dma_semaphore, #tpu.memory_space<semaphore_mem>>) src(%dma_wait3A_78 : memref<1000000x128xf32, #tpu.memory_space<hbm>>) dst(%dma_wait3A_72 : memref<128x128xf32, #tpu.memory_space<vmem>>)
      %dma_wait3A_79 = arith.constant 3 : i32
      %dma_wait3A_80 = arith.constant 384 : i32
      %dma_wait3A_81 = arith.constant 0 : i32
      %dma_wait3A_82 = tpu.memref_slice %arg6[%dma_wait3A_80, %dma_wait3A_81] : memref<512x128xf32, #tpu.memory_space<vmem>> -> memref<128x128xf32, #tpu.memory_space<vmem>>
      %dma_wait3A_83 = arith.constant 0 : i32
      %dma_wait3A_84 = tpu.memref_slice %arg5[%dma_wait3A_79, %dma_wait3A_83] : memref<4x128xi32, #tpu.memory_space<vmem>> -> memref<1x128xi32, #tpu.memory_space<vmem>>
      %dma_wait3A_85 = tpu.memref_squeeze %dma_wait3A_84 : memref<1x128xi32, #tpu.memory_space<vmem>> -> memref<128xi32, #tpu.memory_space<vmem>>
      %dma_wait3A_86 = arith.constant 0 : i32
      %dma_wait3A_87 = arith.constant 0 : i32
      %dma_wait3A_88 = tpu.memref_slice %arg3[%dma_wait3A_86, %dma_wait3A_87] : memref<1000000x128xf32, #tpu.memory_space<hbm>> -> memref<1000000x128xf32, #tpu.memory_space<hbm>>
      tpu.wait_indirect_dma semaphore(%arg7 : memref<!tpu.dma_semaphore, #tpu.memory_space<semaphore_mem>>) src(%dma_wait3A_88 : memref<1000000x128xf32, #tpu.memory_space<hbm>>) dst(%dma_wait3A_82 : memref<128x128xf32, #tpu.memory_space<vmem>>)
      %mul3A_89 = arith.constant 128 : i32
      %mul3A_90 = arith.muli %add3A_10, %mul3A_89 : i32
      "tpu.region"() ({
        %run_scoped3A = tpu.sem_alloc : memref<!tpu.dma_semaphore, #tpu.memory_space<semaphore_mem>>
        %dma_start3A_91 = arith.constant 0 : i32
        %dma_start3A_92 = tpu.memref_slice %arg4[%mul3A_90, %dma_start3A_91] : memref<409600x128xf32, #tpu.memory_space<hbm>> -> memref<512x128xf32, #tpu.memory_space<hbm>>
        %dma_start3A_93 = arith.constant 0 : i32
        %dma_start3A_94 = tpu.memref_slice %arg4[%mul3A_90, %dma_start3A_93] : memref<409600x128xf32, #tpu.memory_space<hbm>> -> memref<512x128xf32, #tpu.memory_space<hbm>>
        tpu.enqueue_dma source(%arg6 : memref<512x128xf32, #tpu.memory_space<vmem>>) target(%dma_start3A_94 : memref<512x128xf32, #tpu.memory_space<hbm>>) target_semaphore(%run_scoped3A : memref<!tpu.dma_semaphore, #tpu.memory_space<semaphore_mem>>)
        %dma_wait3A_95 = arith.constant 0 : i32
        %dma_wait3A_96 = tpu.memref_slice %arg4[%mul3A_90, %dma_wait3A_95] : memref<409600x128xf32, #tpu.memory_space<hbm>> -> memref<512x128xf32, #tpu.memory_space<hbm>>
        %dma_wait3A_97 = arith.constant 0 : i32
        %dma_wait3A_98 = tpu.memref_slice %arg4[%mul3A_90, %dma_wait3A_97] : memref<409600x128xf32, #tpu.memory_space<hbm>> -> memref<512x128xf32, #tpu.memory_space<hbm>>
        tpu.wait_dma2 semaphore(%run_scoped3A : memref<!tpu.dma_semaphore, #tpu.memory_space<semaphore_mem>>) src(%arg6 : memref<512x128xf32, #tpu.memory_space<vmem>>) dst(%dma_wait3A_98 : memref<512x128xf32, #tpu.memory_space<hbm>>)
        tpu.yield
      }) : () -> ()
    }
    %scan3A_6 = arith.constant 25 : i32
    return
  }
}

#map = affine_map<(d0, d1) -> (0, 0)>
module attributes {stable_mosaic.version = 14 : i64} {
  func.func @k(%arg0: i32, %arg1: i32, %arg2: memref<3200x128xi32, #tpu.memory_space<hbm>>, %arg3: memref<1000000x128xf32, #tpu.memory_space<hbm>>, %arg4: memref<409600x128xf32, #tpu.memory_space<hbm>>, %arg5: memref<4x128xi32, #tpu.memory_space<vmem>>, %arg6: memref<512x128xf32, #tpu.memory_space<vmem>>, %arg7: memref<!tpu.dma_semaphore, #tpu.memory_space<semaphore_mem>>) attributes {dimension_semantics = [#tpu.dimension_semantics<core_parallel>, #tpu.dimension_semantics<subcore_parallel>], iteration_bounds = array<i64: 2, 16>, scalar_prefetch = 0 : i64, scratch_operands = 3 : i64, tpu.core_type = #tpu.core_type<sc_vector_subcore>, window_params = [{transform_indices = #map}, {transform_indices = #map}, {transform_indices = #map}]} {
    %mul3A = arith.constant 2 : i32
    %mul3A_0 = arith.muli %arg1, %mul3A : i32
    %add3A = arith.addi %mul3A_0, %arg0 : i32
    %mul3A_1 = arith.constant 100 : i32
    %mul3A_2 = arith.muli %add3A, %mul3A_1 : i32
    %scan3A = arith.constant 0 : i32
    %scan3A_3 = arith.constant 25 : i32
    %scan3A_4 = arith.addi %scan3A, %scan3A_3 : i32
    %scan3A_5 = arith.constant 1 : i32
    scf.for %scan3A_7 = %scan3A to %scan3A_4 step %scan3A_5  : i32 {
      %mul3A_8 = arith.constant 4 : i32
      %mul3A_9 = arith.muli %scan3A_7, %mul3A_8 : i32
      %add3A_10 = arith.addi %mul3A_2, %mul3A_9 : i32
      "tpu.region"() ({
        %run_scoped3A = tpu.sem_alloc : memref<!tpu.dma_semaphore, #tpu.memory_space<semaphore_mem>>
        %dma_start3A_91 = arith.constant 0 : i32
        %dma_start3A_92 = tpu.memref_slice %arg2[%add3A_10, %dma_start3A_91] : memref<3200x128xi32, #tpu.memory_space<hbm>> -> memref<4x128xi32, #tpu.memory_space<hbm>>
        %dma_start3A_93 = arith.constant 0 : i32
        %dma_start3A_94 = tpu.memref_slice %arg2[%add3A_10, %dma_start3A_93] : memref<3200x128xi32, #tpu.memory_space<hbm>> -> memref<4x128xi32, #tpu.memory_space<hbm>>
        tpu.enqueue_dma source(%dma_start3A_94 : memref<4x128xi32, #tpu.memory_space<hbm>>) target(%arg5 : memref<4x128xi32, #tpu.memory_space<vmem>>) target_semaphore(%run_scoped3A : memref<!tpu.dma_semaphore, #tpu.memory_space<semaphore_mem>>)
        %dma_wait3A_95 = arith.constant 0 : i32
        %dma_wait3A_96 = tpu.memref_slice %arg2[%add3A_10, %dma_wait3A_95] : memref<3200x128xi32, #tpu.memory_space<hbm>> -> memref<4x128xi32, #tpu.memory_space<hbm>>
        %dma_wait3A_97 = arith.constant 0 : i32
        %dma_wait3A_98 = tpu.memref_slice %arg2[%add3A_10, %dma_wait3A_97] : memref<3200x128xi32, #tpu.memory_space<hbm>> -> memref<4x128xi32, #tpu.memory_space<hbm>>
        tpu.wait_dma2 semaphore(%run_scoped3A : memref<!tpu.dma_semaphore, #tpu.memory_space<semaphore_mem>>) src(%dma_wait3A_98 : memref<4x128xi32, #tpu.memory_space<hbm>>) dst(%arg5 : memref<4x128xi32, #tpu.memory_space<vmem>>)
        tpu.yield
      }) : () -> ()
      %dma_start3A = arith.constant 0 : i32
      %dma_start3A_11 = arith.constant 0 : i32
      %dma_start3A_12 = arith.constant 0 : i32
      %dma_start3A_13 = tpu.memref_slice %arg6[%dma_start3A_11, %dma_start3A_12] : memref<512x128xf32, #tpu.memory_space<vmem>> -> memref<128x128xf32, #tpu.memory_space<vmem>>
      %dma_start3A_14 = arith.constant 0 : i32
      %dma_start3A_15 = tpu.memref_slice %arg5[%dma_start3A, %dma_start3A_14] : memref<4x128xi32, #tpu.memory_space<vmem>> -> memref<1x128xi32, #tpu.memory_space<vmem>>
      %dma_start3A_16 = tpu.memref_squeeze %dma_start3A_15 : memref<1x128xi32, #tpu.memory_space<vmem>> -> memref<128xi32, #tpu.memory_space<vmem>>
      %dma_start3A_17 = arith.constant 0 : i32
      %dma_start3A_18 = arith.constant 0 : i32
      %dma_start3A_19 = tpu.memref_slice %arg3[%dma_start3A_17, %dma_start3A_18] : memref<1000000x128xf32, #tpu.memory_space<hbm>> -> memref<1000000x128xf32, #tpu.memory_space<hbm>>
      tpu.enqueue_indirect_dma source(%dma_start3A_19 : memref<1000000x128xf32, #tpu.memory_space<hbm>>) target(%dma_start3A_13 : memref<128x128xf32, #tpu.memory_space<vmem>>) offsets(%dma_start3A_16 : memref<128xi32, #tpu.memory_space<vmem>>) semaphore(%arg7 : memref<!tpu.dma_semaphore, #tpu.memory_space<semaphore_mem>>)
      %dma_start3A_20 = arith.constant 1 : i32
      %dma_start3A_21 = arith.constant 128 : i32
      %dma_start3A_22 = arith.constant 0 : i32
      %dma_start3A_23 = tpu.memref_slice %arg6[%dma_start3A_21, %dma_start3A_22] : memref<512x128xf32, #tpu.memory_space<vmem>> -> memref<128x128xf32, #tpu.memory_space<vmem>>
      %dma_start3A_24 = arith.constant 0 : i32
      %dma_start3A_25 = tpu.memref_slice %arg5[%dma_start3A_20, %dma_start3A_24] : memref<4x128xi32, #tpu.memory_space<vmem>> -> memref<1x128xi32, #tpu.memory_space<vmem>>
      %dma_start3A_26 = tpu.memref_squeeze %dma_start3A_25 : memref<1x128xi32, #tpu.memory_space<vmem>> -> memref<128xi32, #tpu.memory_space<vmem>>
      %dma_start3A_27 = arith.constant 0 : i32
      %dma_start3A_28 = arith.constant 0 : i32
      %dma_start3A_29 = tpu.memref_slice %arg3[%dma_start3A_27, %dma_start3A_28] : memref<1000000x128xf32, #tpu.memory_space<hbm>> -> memref<1000000x128xf32, #tpu.memory_space<hbm>>
      tpu.enqueue_indirect_dma source(%dma_start3A_29 : memref<1000000x128xf32, #tpu.memory_space<hbm>>) target(%dma_start3A_23 : memref<128x128xf32, #tpu.memory_space<vmem>>) offsets(%dma_start3A_26 : memref<128xi32, #tpu.memory_space<vmem>>) semaphore(%arg7 : memref<!tpu.dma_semaphore, #tpu.memory_space<semaphore_mem>>)
      %dma_start3A_30 = arith.constant 2 : i32
      %dma_start3A_31 = arith.constant 256 : i32
      %dma_start3A_32 = arith.constant 0 : i32
      %dma_start3A_33 = tpu.memref_slice %arg6[%dma_start3A_31, %dma_start3A_32] : memref<512x128xf32, #tpu.memory_space<vmem>> -> memref<128x128xf32, #tpu.memory_space<vmem>>
      %dma_start3A_34 = arith.constant 0 : i32
      %dma_start3A_35 = tpu.memref_slice %arg5[%dma_start3A_30, %dma_start3A_34] : memref<4x128xi32, #tpu.memory_space<vmem>> -> memref<1x128xi32, #tpu.memory_space<vmem>>
      %dma_start3A_36 = tpu.memref_squeeze %dma_start3A_35 : memref<1x128xi32, #tpu.memory_space<vmem>> -> memref<128xi32, #tpu.memory_space<vmem>>
      %dma_start3A_37 = arith.constant 0 : i32
      %dma_start3A_38 = arith.constant 0 : i32
      %dma_start3A_39 = tpu.memref_slice %arg3[%dma_start3A_37, %dma_start3A_38] : memref<1000000x128xf32, #tpu.memory_space<hbm>> -> memref<1000000x128xf32, #tpu.memory_space<hbm>>
      tpu.enqueue_indirect_dma source(%dma_start3A_39 : memref<1000000x128xf32, #tpu.memory_space<hbm>>) target(%dma_start3A_33 : memref<128x128xf32, #tpu.memory_space<vmem>>) offsets(%dma_start3A_36 : memref<128xi32, #tpu.memory_space<vmem>>) semaphore(%arg7 : memref<!tpu.dma_semaphore, #tpu.memory_space<semaphore_mem>>)
      %dma_start3A_40 = arith.constant 3 : i32
      %dma_start3A_41 = arith.constant 384 : i32
      %dma_start3A_42 = arith.constant 0 : i32
      %dma_start3A_43 = tpu.memref_slice %arg6[%dma_start3A_41, %dma_start3A_42] : memref<512x128xf32, #tpu.memory_space<vmem>> -> memref<128x128xf32, #tpu.memory_space<vmem>>
      %dma_start3A_44 = arith.constant 0 : i32
      %dma_start3A_45 = tpu.memref_slice %arg5[%dma_start3A_40, %dma_start3A_44] : memref<4x128xi32, #tpu.memory_space<vmem>> -> memref<1x128xi32, #tpu.memory_space<vmem>>
      %dma_start3A_46 = tpu.memref_squeeze %dma_start3A_45 : memref<1x128xi32, #tpu.memory_space<vmem>> -> memref<128xi32, #tpu.memory_space<vmem>>
      %dma_start3A_47 = arith.constant 0 : i32
      %dma_start3A_48 = arith.constant 0 : i32
      %dma_start3A_49 = tpu.memref_slice %arg3[%dma_start3A_47, %dma_start3A_48] : memref<1000000x128xf32, #tpu.memory_space<hbm>> -> memref<1000000x128xf32, #tpu.memory_space<hbm>>
      tpu.enqueue_indirect_dma source(%dma_start3A_49 : memref<1000000x128xf32, #tpu.memory_space<hbm>>) target(%dma_start3A_43 : memref<128x128xf32, #tpu.memory_space<vmem>>) offsets(%dma_start3A_46 : memref<128xi32, #tpu.memory_space<vmem>>) semaphore(%arg7 : memref<!tpu.dma_semaphore, #tpu.memory_space<semaphore_mem>>)
      %dma_wait3A = arith.constant 0 : i32
      %dma_wait3A_50 = arith.constant 0 : i32
      %dma_wait3A_51 = arith.constant 0 : i32
      %dma_wait3A_52 = tpu.memref_slice %arg6[%dma_wait3A_50, %dma_wait3A_51] : memref<512x128xf32, #tpu.memory_space<vmem>> -> memref<128x128xf32, #tpu.memory_space<vmem>>
      %dma_wait3A_53 = arith.constant 0 : i32
      %dma_wait3A_54 = tpu.memref_slice %arg5[%dma_wait3A, %dma_wait3A_53] : memref<4x128xi32, #tpu.memory_space<vmem>> -> memref<1x128xi32, #tpu.memory_space<vmem>>
      %dma_wait3A_55 = tpu.memref_squeeze %dma_wait3A_54 : memref<1x128xi32, #tpu.memory_space<vmem>> -> memref<128xi32, #tpu.memory_space<vmem>>
      %dma_wait3A_56 = arith.constant 0 : i32
      %dma_wait3A_57 = arith.constant 0 : i32
      %dma_wait3A_58 = tpu.memref_slice %arg3[%dma_wait3A_56, %dma_wait3A_57] : memref<1000000x128xf32, #tpu.memory_space<hbm>> -> memref<1000000x128xf32, #tpu.memory_space<hbm>>
      tpu.wait_indirect_dma semaphore(%arg7 : memref<!tpu.dma_semaphore, #tpu.memory_space<semaphore_mem>>) src(%dma_wait3A_58 : memref<1000000x128xf32, #tpu.memory_space<hbm>>) dst(%dma_wait3A_52 : memref<128x128xf32, #tpu.memory_space<vmem>>)
      %dma_wait3A_59 = arith.constant 1 : i32
      %dma_wait3A_60 = arith.constant 128 : i32
      %dma_wait3A_61 = arith.constant 0 : i32
      %dma_wait3A_62 = tpu.memref_slice %arg6[%dma_wait3A_60, %dma_wait3A_61] : memref<512x128xf32, #tpu.memory_space<vmem>> -> memref<128x128xf32, #tpu.memory_space<vmem>>
      %dma_wait3A_63 = arith.constant 0 : i32
      %dma_wait3A_64 = tpu.memref_slice %arg5[%dma_wait3A_59, %dma_wait3A_63] : memref<4x128xi32, #tpu.memory_space<vmem>> -> memref<1x128xi32, #tpu.memory_space<vmem>>
      %dma_wait3A_65 = tpu.memref_squeeze %dma_wait3A_64 : memref<1x128xi32, #tpu.memory_space<vmem>> -> memref<128xi32, #tpu.memory_space<vmem>>
      %dma_wait3A_66 = arith.constant 0 : i32
      %dma_wait3A_67 = arith.constant 0 : i32
      %dma_wait3A_68 = tpu.memref_slice %arg3[%dma_wait3A_66, %dma_wait3A_67] : memref<1000000x128xf32, #tpu.memory_space<hbm>> -> memref<1000000x128xf32, #tpu.memory_space<hbm>>
      tpu.wait_indirect_dma semaphore(%arg7 : memref<!tpu.dma_semaphore, #tpu.memory_space<semaphore_mem>>) src(%dma_wait3A_68 : memref<1000000x128xf32, #tpu.memory_space<hbm>>) dst(%dma_wait3A_62 : memref<128x128xf32, #tpu.memory_space<vmem>>)
      %dma_wait3A_69 = arith.constant 2 : i32
      %dma_wait3A_70 = arith.constant 256 : i32
      %dma_wait3A_71 = arith.constant 0 : i32
      %dma_wait3A_72 = tpu.memref_slice %arg6[%dma_wait3A_70, %dma_wait3A_71] : memref<512x128xf32, #tpu.memory_space<vmem>> -> memref<128x128xf32, #tpu.memory_space<vmem>>
      %dma_wait3A_73 = arith.constant 0 : i32
      %dma_wait3A_74 = tpu.memref_slice %arg5[%dma_wait3A_69, %dma_wait3A_73] : memref<4x128xi32, #tpu.memory_space<vmem>> -> memref<1x128xi32, #tpu.memory_space<vmem>>
      %dma_wait3A_75 = tpu.memref_squeeze %dma_wait3A_74 : memref<1x128xi32, #tpu.memory_space<vmem>> -> memref<128xi32, #tpu.memory_space<vmem>>
      %dma_wait3A_76 = arith.constant 0 : i32
      %dma_wait3A_77 = arith.constant 0 : i32
      %dma_wait3A_78 = tpu.memref_slice %arg3[%dma_wait3A_76, %dma_wait3A_77] : memref<1000000x128xf32, #tpu.memory_space<hbm>> -> memref<1000000x128xf32, #tpu.memory_space<hbm>>
      tpu.wait_indirect_dma semaphore(%arg7 : memref<!tpu.dma_semaphore, #tpu.memory_space<semaphore_mem>>) src(%dma_wait3A_78 : memref<1000000x128xf32, #tpu.memory_space<hbm>>) dst(%dma_wait3A_72 : memref<128x128xf32, #tpu.memory_space<vmem>>)
      %dma_wait3A_79 = arith.constant 3 : i32
      %dma_wait3A_80 = arith.constant 384 : i32
      %dma_wait3A_81 = arith.constant 0 : i32
      %dma_wait3A_82 = tpu.memref_slice %arg6[%dma_wait3A_80, %dma_wait3A_81] : memref<512x128xf32, #tpu.memory_space<vmem>> -> memref<128x128xf32, #tpu.memory_space<vmem>>
      %dma_wait3A_83 = arith.constant 0 : i32
      %dma_wait3A_84 = tpu.memref_slice %arg5[%dma_wait3A_79, %dma_wait3A_83] : memref<4x128xi32, #tpu.memory_space<vmem>> -> memref<1x128xi32, #tpu.memory_space<vmem>>
      %dma_wait3A_85 = tpu.memref_squeeze %dma_wait3A_84 : memref<1x128xi32, #tpu.memory_space<vmem>> -> memref<128xi32, #tpu.memory_space<vmem>>
      %dma_wait3A_86 = arith.constant 0 : i32
      %dma_wait3A_87 = arith.constant 0 : i32
      %dma_wait3A_88 = tpu.memref_slice %arg3[%dma_wait3A_86, %dma_wait3A_87] : memref<1000000x128xf32, #tpu.memory_space<hbm>> -> memref<1000000x128xf32, #tpu.memory_space<hbm>>
      tpu.wait_indirect_dma semaphore(%arg7 : memref<!tpu.dma_semaphore, #tpu.memory_space<semaphore_mem>>) src(%dma_wait3A_88 : memref<1000000x128xf32, #tpu.memory_space<hbm>>) dst(%dma_wait3A_82 : memref<128x128xf32, #tpu.memory_space<vmem>>)
      %mul3A_89 = arith.constant 128 : i32
      %mul3A_90 = arith.muli %add3A_10, %mul3A_89 : i32
      "tpu.region"() ({
        %run_scoped3A = tpu.sem_alloc : memref<!tpu.dma_semaphore, #tpu.memory_space<semaphore_mem>>
        %dma_start3A_91 = arith.constant 0 : i32
        %dma_start3A_92 = tpu.memref_slice %arg4[%mul3A_90, %dma_start3A_91] : memref<409600x128xf32, #tpu.memory_space<hbm>> -> memref<512x128xf32, #tpu.memory_space<hbm>>
        %dma_start3A_93 = arith.constant 0 : i32
        %dma_start3A_94 = tpu.memref_slice %arg4[%mul3A_90, %dma_start3A_93] : memref<409600x128xf32, #tpu.memory_space<hbm>> -> memref<512x128xf32, #tpu.memory_space<hbm>>
        tpu.enqueue_dma source(%arg6 : memref<512x128xf32, #tpu.memory_space<vmem>>) target(%dma_start3A_94 : memref<512x128xf32, #tpu.memory_space<hbm>>) target_semaphore(%run_scoped3A : memref<!tpu.dma_semaphore, #tpu.memory_space<semaphore_mem>>)
        %dma_wait3A_95 = arith.constant 0 : i32
        %dma_wait3A_96 = tpu.memref_slice %arg4[%mul3A_90, %dma_wait3A_95] : memref<409600x128xf32, #tpu.memory_space<hbm>> -> memref<512x128xf32, #tpu.memory_space<hbm>>
        %dma_wait3A_97 = arith.constant 0 : i32
        %dma_wait3A_98 = tpu.memref_slice %arg4[%mul3A_90, %dma_wait3A_97] : memref<409600x128xf32, #tpu.memory_space<hbm>> -> memref<512x128xf32, #tpu.memory_space<hbm>>
        tpu.wait_dma2 semaphore(%run_scoped3A : memref<!tpu.dma_semaphore, #tpu.memory_space<semaphore_mem>>) src(%arg6 : memref<512x128xf32, #tpu.memory_space<vmem>>) dst(%dma_wait3A_98 : memref<512x128xf32, #tpu.memory_space<hbm>>)
        tpu.yield
      }) : () -> ()
    }
    %scan3A_6 = arith.constant 25 : i32
    return
  }
}

module attributes {stable_mosaic.version = 14 : i64} {
  func.func @_merge_step(%arg0: i32, %arg1: memref<80x64xf32, #tpu.memory_space<vmem>>, %arg2: memref<64x64xf32, #tpu.memory_space<vmem>>, %arg3: memref<16x64xf32, #tpu.memory_space<vmem>>, %arg4: memref<64x1000000xf32, #tpu.memory_space<any>>, %arg5: memref<16x1000000xf32, #tpu.memory_space<any>>, %arg6: memref<1000000x128xf32, #tpu.memory_space<any>>, %arg7: memref<2x80x8064xf32, #tpu.memory_space<vmem>>, %arg8: memref<2x8064x128xf32, #tpu.memory_space<vmem>>, %arg9: memref<64x128xf32, #tpu.memory_space<vmem>>, %arg10: memref<2x!tpu.dma_semaphore, #tpu.memory_space<semaphore_mem>>, %arg11: memref<2x!tpu.dma_semaphore, #tpu.memory_space<semaphore_mem>>, %arg12: memref<!tpu.dma_semaphore, #tpu.memory_space<semaphore_mem>>) attributes {dimension_semantics = [#tpu.dimension_semantics<arbitrary>], iteration_bounds = array<i64: 124>, scalar_prefetch = 0 : i64, scratch_operands = 6 : i64, tpu.core_type = #tpu.core_type<tc>, window_params = [{pipeline_mode = #tpu.pipeline_mode<synchronous>, transform_indices = @transform_0, window_bounds = array<i64: 80, 64>}, {pipeline_mode = #tpu.pipeline_mode<synchronous>, transform_indices = @transform_1, window_bounds = array<i64: 64, 64>}, {pipeline_mode = #tpu.pipeline_mode<synchronous>, transform_indices = @transform_2, window_bounds = array<i64: 16, 64>}, {}, {}, {}]} {
    %rem3A = arith.constant 2 : i32
    %rem3A_0 = arith.remsi %arg0, %rem3A : i32
    %add3A = arith.constant 1 : i32
    %add3A_1 = arith.addi %arg0, %add3A : i32
    %rem3A_2 = arith.constant 2 : i32
    %rem3A_3 = arith.remsi %add3A_1, %rem3A_2 : i32
    %eq3A = arith.constant 0 : i32
    %eq3A_4 = arith.cmpi eq, %arg0, %eq3A : i32
    %convert_element_type3A = arith.extui %eq3A_4 : i1 to i32
    %cond3A = arith.constant 0 : i32
    %cond3A_5 = arith.cmpi ne, %convert_element_type3A, %cond3A : i32
    scf.if %cond3A_5 {
      %dma_start3A_59 = arith.constant 0 : i32
      %dma_start3A_60 = arith.constant 0 : i32
      %dma_start3A_61 = tpu.memref_slice %arg10[%dma_start3A_60] : memref<2x!tpu.dma_semaphore, #tpu.memory_space<semaphore_mem>> -> memref<1x!tpu.dma_semaphore, #tpu.memory_space<semaphore_mem>>
      %dma_start3A_62 = tpu.memref_squeeze %dma_start3A_61 : memref<1x!tpu.dma_semaphore, #tpu.memory_space<semaphore_mem>> -> memref<!tpu.dma_semaphore, #tpu.memory_space<semaphore_mem>>
      %dma_start3A_63 = arith.constant 0 : i32
      %dma_start3A_64 = arith.constant 0 : i32
      %dma_start3A_65 = tpu.memref_slice %arg7[%dma_start3A_59, %dma_start3A_63, %dma_start3A_64] : memref<2x80x8064xf32, #tpu.memory_space<vmem>> -> memref<1x64x8064xf32, #tpu.memory_space<vmem>>
      %dma_start3A_66 = tpu.memref_squeeze %dma_start3A_65 : memref<1x64x8064xf32, #tpu.memory_space<vmem>> -> memref<64x8064xf32, #tpu.memory_space<vmem>>
      %dma_start3A_67 = arith.constant 0 : i32
      %dma_start3A_68 = arith.constant 0 : i32
      %dma_start3A_69 = tpu.memref_slice %arg4[%dma_start3A_67, %dma_start3A_68] : memref<64x1000000xf32, #tpu.memory_space<any>> -> memref<64x8064xf32, #tpu.memory_space<any>>
      tpu.enqueue_dma source(%dma_start3A_69 : memref<64x8064xf32, #tpu.memory_space<any>>) target(%dma_start3A_66 : memref<64x8064xf32, #tpu.memory_space<vmem>>) target_semaphore(%dma_start3A_62 : memref<!tpu.dma_semaphore, #tpu.memory_space<semaphore_mem>>)
      %dma_start3A_70 = arith.constant 0 : i32
      %dma_start3A_71 = arith.constant 0 : i32
      %dma_start3A_72 = tpu.memref_slice %arg10[%dma_start3A_71] : memref<2x!tpu.dma_semaphore, #tpu.memory_space<semaphore_mem>> -> memref<1x!tpu.dma_semaphore, #tpu.memory_space<semaphore_mem>>
      %dma_start3A_73 = tpu.memref_squeeze %dma_start3A_72 : memref<1x!tpu.dma_semaphore, #tpu.memory_space<semaphore_mem>> -> memref<!tpu.dma_semaphore, #tpu.memory_space<semaphore_mem>>
      %dma_start3A_74 = arith.constant 64 : i32
      %dma_start3A_75 = arith.constant 0 : i32
      %dma_start3A_76 = tpu.memref_slice %arg7[%dma_start3A_70, %dma_start3A_74, %dma_start3A_75] : memref<2x80x8064xf32, #tpu.memory_space<vmem>> -> memref<1x16x8064xf32, #tpu.memory_space<vmem>>
      %dma_start3A_77 = tpu.memref_squeeze %dma_start3A_76 : memref<1x16x8064xf32, #tpu.memory_space<vmem>> -> memref<16x8064xf32, #tpu.memory_space<vmem>>
      %dma_start3A_78 = arith.constant 0 : i32
      %dma_start3A_79 = arith.constant 0 : i32
      %dma_start3A_80 = tpu.memref_slice %arg5[%dma_start3A_78, %dma_start3A_79] : memref<16x1000000xf32, #tpu.memory_space<any>> -> memref<16x8064xf32, #tpu.memory_space<any>>
      tpu.enqueue_dma source(%dma_start3A_80 : memref<16x8064xf32, #tpu.memory_space<any>>) target(%dma_start3A_77 : memref<16x8064xf32, #tpu.memory_space<vmem>>) target_semaphore(%dma_start3A_73 : memref<!tpu.dma_semaphore, #tpu.memory_space<semaphore_mem>>)
    } else {
    }
    %add3A_6 = arith.constant 1 : i32
    %add3A_7 = arith.addi %arg0, %add3A_6 : i32
    %lt3A = arith.constant 124 : i32
    %lt3A_8 = arith.cmpi slt, %add3A_7, %lt3A : i32
    %convert_element_type3A_9 = arith.extui %lt3A_8 : i1 to i32
    %cond3A_10 = arith.constant 0 : i32
    %cond3A_11 = arith.cmpi ne, %convert_element_type3A_9, %cond3A_10 : i32
    scf.if %cond3A_11 {
      %add3A_59 = arith.constant 1 : i32
      %add3A_60 = arith.addi %arg0, %add3A_59 : i32
      %mul3A_61 = arith.constant 8064 : i32
      %mul3A_62 = arith.muli %add3A_60, %mul3A_61 : i32
      %dma_start3A_63 = tpu.memref_slice %arg10[%rem3A_3] : memref<2x!tpu.dma_semaphore, #tpu.memory_space<semaphore_mem>> -> memref<1x!tpu.dma_semaphore, #tpu.memory_space<semaphore_mem>>
      %dma_start3A_64 = tpu.memref_squeeze %dma_start3A_63 : memref<1x!tpu.dma_semaphore, #tpu.memory_space<semaphore_mem>> -> memref<!tpu.dma_semaphore, #tpu.memory_space<semaphore_mem>>
      %dma_start3A_65 = arith.constant 0 : i32
      %dma_start3A_66 = arith.constant 0 : i32
      %dma_start3A_67 = tpu.memref_slice %arg7[%rem3A_3, %dma_start3A_65, %dma_start3A_66] : memref<2x80x8064xf32, #tpu.memory_space<vmem>> -> memref<1x64x8064xf32, #tpu.memory_space<vmem>>
      %dma_start3A_68 = tpu.memref_squeeze %dma_start3A_67 : memref<1x64x8064xf32, #tpu.memory_space<vmem>> -> memref<64x8064xf32, #tpu.memory_space<vmem>>
      %dma_start3A_69 = arith.constant 0 : i32
      %dma_start3A_70 = tpu.memref_slice %arg4[%dma_start3A_69, %mul3A_62] : memref<64x1000000xf32, #tpu.memory_space<any>> -> memref<64x8064xf32, #tpu.memory_space<any>>
      tpu.enqueue_dma source(%dma_start3A_70 : memref<64x8064xf32, #tpu.memory_space<any>>) target(%dma_start3A_68 : memref<64x8064xf32, #tpu.memory_space<vmem>>) target_semaphore(%dma_start3A_64 : memref<!tpu.dma_semaphore, #tpu.memory_space<semaphore_mem>>)
      %dma_start3A_71 = tpu.memref_slice %arg10[%rem3A_3] : memref<2x!tpu.dma_semaphore, #tpu.memory_space<semaphore_mem>> -> memref<1x!tpu.dma_semaphore, #tpu.memory_space<semaphore_mem>>
      %dma_start3A_72 = tpu.memref_squeeze %dma_start3A_71 : memref<1x!tpu.dma_semaphore, #tpu.memory_space<semaphore_mem>> -> memref<!tpu.dma_semaphore, #tpu.memory_space<semaphore_mem>>
      %dma_start3A_73 = arith.constant 64 : i32
      %dma_start3A_74 = arith.constant 0 : i32
      %dma_start3A_75 = tpu.memref_slice %arg7[%rem3A_3, %dma_start3A_73, %dma_start3A_74] : memref<2x80x8064xf32, #tpu.memory_space<vmem>> -> memref<1x16x8064xf32, #tpu.memory_space<vmem>>
      %dma_start3A_76 = tpu.memref_squeeze %dma_start3A_75 : memref<1x16x8064xf32, #tpu.memory_space<vmem>> -> memref<16x8064xf32, #tpu.memory_space<vmem>>
      %dma_start3A_77 = arith.constant 0 : i32
      %dma_start3A_78 = tpu.memref_slice %arg5[%dma_start3A_77, %mul3A_62] : memref<16x1000000xf32, #tpu.memory_space<any>> -> memref<16x8064xf32, #tpu.memory_space<any>>
      tpu.enqueue_dma source(%dma_start3A_78 : memref<16x8064xf32, #tpu.memory_space<any>>) target(%dma_start3A_76 : memref<16x8064xf32, #tpu.memory_space<vmem>>) target_semaphore(%dma_start3A_72 : memref<!tpu.dma_semaphore, #tpu.memory_space<semaphore_mem>>)
    } else {
    }
    %dma_wait3A = tpu.memref_slice %arg10[%rem3A_0] : memref<2x!tpu.dma_semaphore, #tpu.memory_space<semaphore_mem>> -> memref<1x!tpu.dma_semaphore, #tpu.memory_space<semaphore_mem>>
    %dma_wait3A_12 = tpu.memref_squeeze %dma_wait3A : memref<1x!tpu.dma_semaphore, #tpu.memory_space<semaphore_mem>> -> memref<!tpu.dma_semaphore, #tpu.memory_space<semaphore_mem>>
    %dma_wait3A_13 = arith.constant 0 : i32
    %dma_wait3A_14 = arith.constant 0 : i32
    %dma_wait3A_15 = tpu.memref_slice %arg7[%rem3A_0, %dma_wait3A_13, %dma_wait3A_14] : memref<2x80x8064xf32, #tpu.memory_space<vmem>> -> memref<1x64x8064xf32, #tpu.memory_space<vmem>>
    %dma_wait3A_16 = tpu.memref_squeeze %dma_wait3A_15 : memref<1x64x8064xf32, #tpu.memory_space<vmem>> -> memref<64x8064xf32, #tpu.memory_space<vmem>>
    %dma_wait3A_17 = arith.constant 0 : i32
    %dma_wait3A_18 = arith.constant 0 : i32
    %dma_wait3A_19 = tpu.memref_slice %arg4[%dma_wait3A_17, %dma_wait3A_18] : memref<64x1000000xf32, #tpu.memory_space<any>> -> memref<64x8064xf32, #tpu.memory_space<any>>
    tpu.wait_dma2 semaphore(%dma_wait3A_12 : memref<!tpu.dma_semaphore, #tpu.memory_space<semaphore_mem>>) src(%dma_wait3A_19 : memref<64x8064xf32, #tpu.memory_space<any>>) dst(%dma_wait3A_16 : memref<64x8064xf32, #tpu.memory_space<vmem>>)
    %dma_wait3A_20 = tpu.memref_slice %arg10[%rem3A_0] : memref<2x!tpu.dma_semaphore, #tpu.memory_space<semaphore_mem>> -> memref<1x!tpu.dma_semaphore, #tpu.memory_space<semaphore_mem>>
    %dma_wait3A_21 = tpu.memref_squeeze %dma_wait3A_20 : memref<1x!tpu.dma_semaphore, #tpu.memory_space<semaphore_mem>> -> memref<!tpu.dma_semaphore, #tpu.memory_space<semaphore_mem>>
    %dma_wait3A_22 = arith.constant 64 : i32
    %dma_wait3A_23 = arith.constant 0 : i32
    %dma_wait3A_24 = tpu.memref_slice %arg7[%rem3A_0, %dma_wait3A_22, %dma_wait3A_23] : memref<2x80x8064xf32, #tpu.memory_space<vmem>> -> memref<1x16x8064xf32, #tpu.memory_space<vmem>>
    %dma_wait3A_25 = tpu.memref_squeeze %dma_wait3A_24 : memref<1x16x8064xf32, #tpu.memory_space<vmem>> -> memref<16x8064xf32, #tpu.memory_space<vmem>>
    %dma_wait3A_26 = arith.constant 0 : i32
    %dma_wait3A_27 = arith.constant 0 : i32
    %dma_wait3A_28 = tpu.memref_slice %arg5[%dma_wait3A_26, %dma_wait3A_27] : memref<16x1000000xf32, #tpu.memory_space<any>> -> memref<16x8064xf32, #tpu.memory_space<any>>
    tpu.wait_dma2 semaphore(%dma_wait3A_21 : memref<!tpu.dma_semaphore, #tpu.memory_space<semaphore_mem>>) src(%dma_wait3A_28 : memref<16x8064xf32, #tpu.memory_space<any>>) dst(%dma_wait3A_25 : memref<16x8064xf32, #tpu.memory_space<vmem>>)
    %get3A = arith.index_cast %rem3A_0 : i32 to index
    %get3A_29 = arith.constant 0 : index
    %get3A_30 = arith.constant 0 : index
    %get3A_31 = vector.load %arg7[%get3A, %get3A_29, %get3A_30] : memref<2x80x8064xf32, #tpu.memory_space<vmem>>, vector<1x80x8064xf32>
    %get3A_32 = vector.shape_cast %get3A_31 : vector<1x80x8064xf32> to vector<80x8064xf32>
    %get3A_33 = arith.constant 0 : index
    %get3A_34 = arith.constant 0 : index
    %get3A_35 = vector.load %arg1[%get3A_33, %get3A_34] : memref<80x64xf32, #tpu.memory_space<vmem>>, vector<80x64xf32>
    %dot_general3A = arith.constant dense<0.000000e+00> : vector<8064x64xf32>
    %dot_general3A_36 = tpu.matmul %get3A_32, %get3A_35, %dot_general3A {dimension_numbers = #tpu.dot_dimension_numbers<[0], [0], [1], [1], [0, 1, 1, 1], [], []>, transpose_lhs_hint = false} : vector<80x8064xf32>, vector<80x64xf32>, vector<8064x64xf32> -> vector<8064x64xf32>
    %ge3A = arith.constant 2 : i32
    %ge3A_37 = arith.cmpi sge, %arg0, %ge3A : i32
    %convert_element_type3A_38 = arith.extui %ge3A_37 : i1 to i32
    %cond3A_39 = arith.constant 0 : i32
    %cond3A_40 = arith.cmpi ne, %convert_element_type3A_38, %cond3A_39 : i32
    scf.if %cond3A_40 {
      %sub3A = arith.constant 2 : i32
      %sub3A_59 = arith.subi %arg0, %sub3A : i32
      %mul3A_60 = arith.constant 8064 : i32
      %mul3A_61 = arith.muli %sub3A_59, %mul3A_60 : i32
      %dma_wait3A_62 = tpu.memref_slice %arg11[%rem3A_0] : memref<2x!tpu.dma_semaphore, #tpu.memory_space<semaphore_mem>> -> memref<1x!tpu.dma_semaphore, #tpu.memory_space<semaphore_mem>>
      %dma_wait3A_63 = tpu.memref_squeeze %dma_wait3A_62 : memref<1x!tpu.dma_semaphore, #tpu.memory_space<semaphore_mem>> -> memref<!tpu.dma_semaphore, #tpu.memory_space<semaphore_mem>>
      %dma_wait3A_64 = arith.constant 0 : i32
      %dma_wait3A_65 = tpu.memref_slice %arg6[%mul3A_61, %dma_wait3A_64] : memref<1000000x128xf32, #tpu.memory_space<any>> -> memref<8064x128xf32, #tpu.memory_space<any>>
      %dma_wait3A_66 = arith.constant 0 : i32
      %dma_wait3A_67 = arith.constant 0 : i32
      %dma_wait3A_68 = tpu.memref_slice %arg8[%rem3A_0, %dma_wait3A_66, %dma_wait3A_67] : memref<2x8064x128xf32, #tpu.memory_space<vmem>> -> memref<1x8064x128xf32, #tpu.memory_space<vmem>>
      %dma_wait3A_69 = tpu.memref_squeeze %dma_wait3A_68 : memref<1x8064x128xf32, #tpu.memory_space<vmem>> -> memref<8064x128xf32, #tpu.memory_space<vmem>>
      tpu.wait_dma2 semaphore(%dma_wait3A_63 : memref<!tpu.dma_semaphore, #tpu.memory_space<semaphore_mem>>) src(%dma_wait3A_69 : memref<8064x128xf32, #tpu.memory_space<vmem>>) dst(%dma_wait3A_65 : memref<8064x128xf32, #tpu.memory_space<any>>)
    } else {
    }
    %swap3A = arith.index_cast %rem3A_0 : i32 to index
    %swap3A_41 = arith.constant 0 : index
    %swap3A_42 = arith.constant 0 : index
    %swap3A_43 = vector.load %arg8[%swap3A, %swap3A_41, %swap3A_42] : memref<2x8064x128xf32, #tpu.memory_space<vmem>>, vector<1x8064x64xf32>
    %swap3A_44 = vector.shape_cast %swap3A_43 : vector<1x8064x64xf32> to vector<8064x64xf32>
    %swap3A_45 = vector.shape_cast %dot_general3A_36 : vector<8064x64xf32> to vector<1x8064x64xf32>
    tpu.vector_store %arg8[%swap3A, %swap3A_41, %swap3A_42], %swap3A_45 {strides = array<i32>} : memref<2x8064x128xf32, #tpu.memory_space<vmem>>, vector<1x8064x64xf32>,
    %mul3A = arith.constant 8064 : i32
    %mul3A_46 = arith.muli %arg0, %mul3A : i32
    %dma_start3A = tpu.memref_slice %arg11[%rem3A_0] : memref<2x!tpu.dma_semaphore, #tpu.memory_space<semaphore_mem>> -> memref<1x!tpu.dma_semaphore, #tpu.memory_space<semaphore_mem>>
    %dma_start3A_47 = tpu.memref_squeeze %dma_start3A : memref<1x!tpu.dma_semaphore, #tpu.memory_space<semaphore_mem>> -> memref<!tpu.dma_semaphore, #tpu.memory_space<semaphore_mem>>
    %dma_start3A_48 = arith.constant 0 : i32
    %dma_start3A_49 = tpu.memref_slice %arg6[%mul3A_46, %dma_start3A_48] : memref<1000000x128xf32, #tpu.memory_space<any>> -> memref<8064x128xf32, #tpu.memory_space<any>>
    %dma_start3A_50 = arith.constant 0 : i32
    %dma_start3A_51 = arith.constant 0 : i32
    %dma_start3A_52 = tpu.memref_slice %arg8[%rem3A_0, %dma_start3A_50, %dma_start3A_51] : memref<2x8064x128xf32, #tpu.memory_space<vmem>> -> memref<1x8064x128xf32, #tpu.memory_space<vmem>>
    %dma_start3A_53 = tpu.memref_squeeze %dma_start3A_52 : memref<1x8064x128xf32, #tpu.memory_space<vmem>> -> memref<8064x128xf32, #tpu.memory_space<vmem>>
    tpu.enqueue_dma source(%dma_start3A_53 : memref<8064x128xf32, #tpu.memory_space<vmem>>) target(%dma_start3A_49 : memref<8064x128xf32, #tpu.memory_space<any>>) target_semaphore(%dma_start3A_47 : memref<!tpu.dma_semaphore, #tpu.memory_space<semaphore_mem>>)
    %eq3A_54 = arith.constant 123 : i32
    %eq3A_55 = arith.cmpi eq, %arg0, %eq3A_54 : i32
    %convert_element_type3A_56 = arith.extui %eq3A_55 : i1 to i32
    %cond3A_57 = arith.constant 0 : i32
    %cond3A_58 = arith.cmpi ne, %convert_element_type3A_56, %cond3A_57 : i32
    scf.if %cond3A_58 {
      %get3A_59 = arith.constant 0 : index
      %get3A_60 = arith.constant 0 : index
      %get3A_61 = vector.load %arg3[%get3A_59, %get3A_60] : memref<16x64xf32, #tpu.memory_space<vmem>>, vector<16x64xf32>
      %get3A_62 = arith.constant 64 : index
      %get3A_63 = arith.constant 0 : index
      %get3A_64 = vector.load %arg1[%get3A_62, %get3A_63] : memref<80x64xf32, #tpu.memory_space<vmem>>, vector<16x64xf32>
      %dot_general3A_65 = arith.constant dense<0.000000e+00> : vector<64x64xf32>
      %dot_general3A_66 = tpu.matmul %get3A_61, %get3A_64, %dot_general3A_65 {dimension_numbers = #tpu.dot_dimension_numbers<[0], [0], [1], [1], [0, 1, 1, 1], [], []>, transpose_lhs_hint = false} : vector<16x64xf32>, vector<16x64xf32>, vector<64x64xf32> -> vector<64x64xf32>
      %get3A_67 = arith.constant 0 : index
      %get3A_68 = arith.constant 0 : index
      %get3A_69 = vector.load %arg2[%get3A_67, %get3A_68] : memref<64x64xf32, #tpu.memory_space<vmem>>, vector<64x64xf32>
      %add3A_70 = arith.addf %get3A_69, %dot_general3A_66 : vector<64x64xf32>
      %swap3A_71 = arith.constant 0 : index
      %swap3A_72 = arith.constant 0 : index
      %swap3A_73 = vector.load %arg9[%swap3A_71, %swap3A_72] : memref<64x128xf32, #tpu.memory_space<vmem>>, vector<64x64xf32>
      tpu.vector_store %arg9[%swap3A_71, %swap3A_72], %add3A_70 {strides = array<i32>} : memref<64x128xf32, #tpu.memory_space<vmem>>, vector<64x64xf32>,
      %dma_start3A_74 = arith.constant 999936 : i32
      %dma_start3A_75 = arith.constant 0 : i32
      %dma_start3A_76 = tpu.memref_slice %arg6[%dma_start3A_74, %dma_start3A_75] : memref<1000000x128xf32, #tpu.memory_space<any>> -> memref<64x128xf32, #tpu.memory_space<any>>
      tpu.enqueue_dma source(%arg9 : memref<64x128xf32, #tpu.memory_space<vmem>>) target(%dma_start3A_76 : memref<64x128xf32, #tpu.memory_space<any>>) target_semaphore(%arg12 : memref<!tpu.dma_semaphore, #tpu.memory_space<semaphore_mem>>)
      %sub3A = arith.constant 1 : i32
      %sub3A_77 = arith.subi %arg0, %sub3A : i32
      %mul3A_78 = arith.constant 8064 : i32
      %mul3A_79 = arith.muli %sub3A_77, %mul3A_78 : i32
      %dma_wait3A_80 = tpu.memref_slice %arg11[%rem3A_3] : memref<2x!tpu.dma_semaphore, #tpu.memory_space<semaphore_mem>> -> memref<1x!tpu.dma_semaphore, #tpu.memory_space<semaphore_mem>>
      %dma_wait3A_81 = tpu.memref_squeeze %dma_wait3A_80 : memref<1x!tpu.dma_semaphore, #tpu.memory_space<semaphore_mem>> -> memref<!tpu.dma_semaphore, #tpu.memory_space<semaphore_mem>>
      %dma_wait3A_82 = arith.constant 0 : i32
      %dma_wait3A_83 = tpu.memref_slice %arg6[%mul3A_79, %dma_wait3A_82] : memref<1000000x128xf32, #tpu.memory_space<any>> -> memref<8064x128xf32, #tpu.memory_space<any>>
      %dma_wait3A_84 = arith.constant 0 : i32
      %dma_wait3A_85 = arith.constant 0 : i32
      %dma_wait3A_86 = tpu.memref_slice %arg8[%rem3A_3, %dma_wait3A_84, %dma_wait3A_85] : memref<2x8064x128xf32, #tpu.memory_space<vmem>> -> memref<1x8064x128xf32, #tpu.memory_space<vmem>>
      %dma_wait3A_87 = tpu.memref_squeeze %dma_wait3A_86 : memref<1x8064x128xf32, #tpu.memory_space<vmem>> -> memref<8064x128xf32, #tpu.memory_space<vmem>>
      tpu.wait_dma2 semaphore(%dma_wait3A_81 : memref<!tpu.dma_semaphore, #tpu.memory_space<semaphore_mem>>) src(%dma_wait3A_87 : memref<8064x128xf32, #tpu.memory_space<vmem>>) dst(%dma_wait3A_83 : memref<8064x128xf32, #tpu.memory_space<any>>)
      %mul3A_88 = arith.constant 8064 : i32
      %mul3A_89 = arith.muli %arg0, %mul3A_88 : i32
      %dma_wait3A_90 = tpu.memref_slice %arg11[%rem3A_0] : memref<2x!tpu.dma_semaphore, #tpu.memory_space<semaphore_mem>> -> memref<1x!tpu.dma_semaphore, #tpu.memory_space<semaphore_mem>>
      %dma_wait3A_91 = tpu.memref_squeeze %dma_wait3A_90 : memref<1x!tpu.dma_semaphore, #tpu.memory_space<semaphore_mem>> -> memref<!tpu.dma_semaphore, #tpu.memory_space<semaphore_mem>>
      %dma_wait3A_92 = arith.constant 0 : i32
      %dma_wait3A_93 = tpu.memref_slice %arg6[%mul3A_89, %dma_wait3A_92] : memref<1000000x128xf32, #tpu.memory_space<any>> -> memref<8064x128xf32, #tpu.memory_space<any>>
      %dma_wait3A_94 = arith.constant 0 : i32
      %dma_wait3A_95 = arith.constant 0 : i32
      %dma_wait3A_96 = tpu.memref_slice %arg8[%rem3A_0, %dma_wait3A_94, %dma_wait3A_95] : memref<2x8064x128xf32, #tpu.memory_space<vmem>> -> memref<1x8064x128xf32, #tpu.memory_space<vmem>>
      %dma_wait3A_97 = tpu.memref_squeeze %dma_wait3A_96 : memref<1x8064x128xf32, #tpu.memory_space<vmem>> -> memref<8064x128xf32, #tpu.memory_space<vmem>>
      tpu.wait_dma2 semaphore(%dma_wait3A_91 : memref<!tpu.dma_semaphore, #tpu.memory_space<semaphore_mem>>) src(%dma_wait3A_97 : memref<8064x128xf32, #tpu.memory_space<vmem>>) dst(%dma_wait3A_93 : memref<8064x128xf32, #tpu.memory_space<any>>)
      %dma_wait3A_98 = arith.constant 999936 : i32
      %dma_wait3A_99 = arith.constant 0 : i32
      %dma_wait3A_100 = tpu.memref_slice %arg6[%dma_wait3A_98, %dma_wait3A_99] : memref<1000000x128xf32, #tpu.memory_space<any>> -> memref<64x128xf32, #tpu.memory_space<any>>
      tpu.wait_dma2 semaphore(%arg12 : memref<!tpu.dma_semaphore, #tpu.memory_space<semaphore_mem>>) src(%arg9 : memref<64x128xf32, #tpu.memory_space<vmem>>) dst(%dma_wait3A_100 : memref<64x128xf32, #tpu.memory_space<any>>)
    } else {
    }
    return
  }
  func.func @transform_0(%arg0: i32) -> (i32, i32) {
    %c0_i32 = arith.constant 0 : i32
    %c0_i32_0 = arith.constant 0 : i32
    %c0_i32_1 = arith.constant 0 : i32
    return %c0_i32, %c0_i32_0 : i32, i32
  }
  func.func @transform_1(%arg0: i32) -> (i32, i32) {
    %c0_i32 = arith.constant 0 : i32
    %c0_i32_0 = arith.constant 0 : i32
    %c0_i32_1 = arith.constant 0 : i32
    return %c0_i32, %c0_i32_0 : i32, i32
  }
  func.func @transform_2(%arg0: i32) -> (i32, i32) {
    %c0_i32 = arith.constant 0 : i32
    %c0_i32_0 = arith.constant 0 : i32
    %c0_i32_1 = arith.constant 0 : i32
    return %c0_i32, %c0_i32_0 : i32, i32
  }
}

module attributes {stable_mosaic.version = 14 : i64} {
  func.func @_relayout_step(%arg0: i32, %arg1: i32, %arg2: memref<1x8192x128xf32, #tpu.memory_space<vmem>>, %arg3: memref<1x64x8192xf32, #tpu.memory_space<vmem>>) attributes {dimension_semantics = [#tpu.dimension_semantics<arbitrary>, #tpu.dimension_semantics<arbitrary>], iteration_bounds = array<i64: 25, 2>, scalar_prefetch = 0 : i64, scratch_operands = 0 : i64, tpu.core_type = #tpu.core_type<tc>, window_params = [{transform_indices = @transform_0, window_bounds = array<i64: 1, 8192, 128>}, {transform_indices = @transform_1, window_bounds = array<i64: 1, 64, 8192>}]} {
    %get3A = arith.constant 0 : index
    %get3A_0 = arith.constant 0 : index
    %get3A_1 = arith.constant 0 : index
    %get3A_2 = vector.load %arg2[%get3A, %get3A_0, %get3A_1] : memref<1x8192x128xf32, #tpu.memory_space<vmem>>, vector<1x8192x64xf32>
    %get3A_3 = vector.shape_cast %get3A_2 : vector<1x8192x64xf32> to vector<8192x64xf32>
    %transpose3A = tpu.transpose %get3A_3, [1, 0] : vector<8192x64xf32> -> vector<64x8192xf32>
    %swap3A = arith.constant 0 : index
    %swap3A_4 = arith.constant 0 : index
    %swap3A_5 = arith.constant 0 : index
    %swap3A_6 = vector.load %arg3[%swap3A, %swap3A_4, %swap3A_5] : memref<1x64x8192xf32, #tpu.memory_space<vmem>>, vector<1x64x8192xf32>
    %swap3A_7 = vector.shape_cast %swap3A_6 : vector<1x64x8192xf32> to vector<64x8192xf32>
    %swap3A_8 = vector.shape_cast %transpose3A : vector<64x8192xf32> to vector<1x64x8192xf32>
    tpu.vector_store %arg3[%swap3A, %swap3A_4, %swap3A_5], %swap3A_8 {strides = array<i32>} : memref<1x64x8192xf32, #tpu.memory_space<vmem>>, vector<1x64x8192xf32>,
    return
  }
  func.func @transform_0(%arg0: i32, %arg1: i32) -> (i32, i32, i32) {
    %c0_i32 = arith.constant 0 : i32
    %c0_i32_0 = arith.constant 0 : i32
    return %arg0, %arg1, %c0_i32 : i32, i32, i32
  }
  func.func @transform_1(%arg0: i32, %arg1: i32) -> (i32, i32, i32) {
    %c0_i32 = arith.constant 0 : i32
    %c0_i32_0 = arith.constant 0 : i32
    return %arg0, %c0_i32, %arg1 : i32, i32, i32
  }
}

module attributes {stable_mosaic.version = 14 : i64} {
  func.func @step(%arg0: i32, %arg1: i32, %arg2: memref<1x8192x128xf32, #tpu.memory_space<vmem>>, %arg3: memref<50x64x16384xf32, #tpu.memory_space<any>>, %arg4: memref<1x64x8192xf32, #tpu.memory_space<vmem>>) attributes {dimension_semantics = [#tpu.dimension_semantics<arbitrary>, #tpu.dimension_semantics<arbitrary>], iteration_bounds = array<i64: 25, 2>, scalar_prefetch = 0 : i64, scratch_operands = 0 : i64, tpu.core_type = #tpu.core_type<tc>, window_params = [{transform_indices = @transform_0, window_bounds = array<i64: 1, 8192, 128>}, {}, {transform_indices = @transform_2, window_bounds = array<i64: 1, 64, 8192>}]} {
    %get3A = arith.constant 0 : index
    %get3A_0 = arith.constant 0 : index
    %get3A_1 = arith.constant 0 : index
    %get3A_2 = vector.load %arg2[%get3A, %get3A_0, %get3A_1] : memref<1x8192x128xf32, #tpu.memory_space<vmem>>, vector<1x8192x64xf32>
    %get3A_3 = vector.shape_cast %get3A_2 : vector<1x8192x64xf32> to vector<8192x64xf32>
    %transpose3A = tpu.transpose %get3A_3, [1, 0] : vector<8192x64xf32> -> vector<64x8192xf32>
    %swap3A = arith.constant 0 : index
    %swap3A_4 = arith.constant 0 : index
    %swap3A_5 = arith.constant 0 : index
    %swap3A_6 = vector.load %arg4[%swap3A, %swap3A_4, %swap3A_5] : memref<1x64x8192xf32, #tpu.memory_space<vmem>>, vector<1x64x8192xf32>
    %swap3A_7 = vector.shape_cast %swap3A_6 : vector<1x64x8192xf32> to vector<64x8192xf32>
    %swap3A_8 = vector.shape_cast %transpose3A : vector<64x8192xf32> to vector<1x64x8192xf32>
    tpu.vector_store %arg4[%swap3A, %swap3A_4, %swap3A_5], %swap3A_8 {strides = array<i32>} : memref<1x64x8192xf32, #tpu.memory_space<vmem>>, vector<1x64x8192xf32>,
    return
  }
  func.func @transform_0(%arg0: i32, %arg1: i32) -> (i32, i32, i32) {
    %c0_i32 = arith.constant 0 : i32
    %c0_i32_0 = arith.constant 0 : i32
    return %arg0, %arg1, %c0_i32 : i32, i32, i32
  }
  func.func @transform_2(%arg0: i32, %arg1: i32) -> (i32, i32, i32) {
    %add3A = arith.constant 25 : i32
    %add3A_0 = arith.addi %arg0, %add3A : i32
    %c0_i32 = arith.constant 0 : i32
    %c0_i32_1 = arith.constant 0 : i32
    return %add3A_0, %c0_i32, %arg1 : i32, i32, i32
  }
}

</mosaic_0001>

<sc_bundles>
// kernel: kernel.10.cloned.1.call-start
scs
__scs_entry_jumppad:
0x0: {  	(pc) =	sbr.rel $0x88, $3  }
0x1: {  	(tag) =	ssettag $0x0;
	lr =	simm.s32 $0x1  }
0x2: {  	[smem:$0x3F9D] =	sst lr;
	_ =	strace $0xD0000000  }
0x3: {  	_ = 	snop  }
0x4: {  	_ = 	snop  }
0x5: {  	_ = 	snop  }
0x6: {  	_ = 	snop  }
0x7: {  	_ = 	snop  }
__scs_overlays_trampoline_lowered:
0x8: {  	[smem:$0x3FAC] =	sst s0  }
0x9: {  	[smem:$0x3FAD] =	sst s1  }
0xa: {  	[smem:$0x3FAE] =	sst s2  }
0xb: {  	[smem:$0x3FAF] =	sst s3  }
0xc: {  	[smem:$0x3FB0] =	sst s4  }
0xd: {  	[smem:$0x3FB1] =	sst s5  }
0xe: {  	[smem:$0x3FB2] =	sst s6  }
0xf: {  	[smem:$0x3FB3] =	sst s7  }
0x10: {  	[smem:$0x3FB4] =	sst s8  }
0x11: {  	[smem:$0x3FB5] =	sst s9;
	s0 =	simm.s32 @!p0 $0x0  }
0x12: {  	s1 =	sld [smem:$0x3F9B];
	s0 =	simm.s32 @p0 $0x1  }
0x13: {  	[smem:$0x3FB6] =	sst s0;
	s0 =	simm.s32 @!p1 $0x0  }
0x14: {  	s2 =	sld [smem:$0x3F9A];
	s0 =	simm.s32 @p1 $0x1  }
0x15: {  	[smem:$0x3FB7] =	sst s0;
	s0 =	simm.s32 @!p2 $0x0  }
0x16: {  	s3 =	sld [smem:$0x3FDB];
	s0 =	simm.s32 @p2 $0x1  }
0x17: {  	s4 =	simm.s32 $0x1BF5;
	[smem:$0x3FB9] =	sst s0  }
0x18: {  	s0 =	sld [smem:$0x3F9C];
	_ =	swait.ge [sflag:s4], $0x0  }
0x19: {  	s7 =	sld [smem:$0x3F9D]  }
0x1a: {  	s8 =	sadd.s32 $0xFFFFE003, lr  }
0x1b: {  	s9 =	sadd.s32 $0xFFFFFEF7, lr;
	s5 =	simm.s32 $0xFFFFFFFF;
	p2 =	slt.u32 s8, $0xFFFFF086  }
0x1c: {  	p1 =	slt.u32 s9, $0xF7A;
	s5 =	simm.s32 @!p2 $0x0  }
0x1d: {  	s5 =	simm.s32 @p1 $0x1;
	p0 =	seq.s32 s7, s2  }
0x1e: {  	s7 =	smul.u32 @!p0 $0xF7A, s2;
	p2 =	seq.s32 @!p0 s5, $0x0  }
0x1f: {  	s9 =	smul.u32 $0xF7A, s1;
	s8 =	simm.s32 @!p0 $0x1BF5;
	p2 =	por !p2, p0  }
0x20: {  	[sflag:s8] =	ssyncset.s32 @!p0 $0xFFFFF086;
	s6 =	sadd.s32 @!p0 s3, s7;
	s7 =	simm.s32 @!p0 $0x108  }
0x21: {  	s3 =	sadd.s32 s3, s9;
	s6 =	sadd.s32 @!p0 $0x88, s6;
	s7 =	simm.s32 @p2 $0x1082  }
0x22: {  	[simem:s7], [sflag:s8] =	dma.local @!p0 [hbm:s6], $0xF7A  }
0x23: {  	s9 =	sor.u32 $0xD0000000, s2;
	s6 =	simm.s32 $0x108;
	_ =	swait.ge @!p0 [sflag:s8], $0x0  }
0x24: {  	s3 =	sadd.s32 $0x88, s3;
	s6 =	simm.s32 @!p1 $0x1082;
	[sflag:s4] =	ssyncset.s32 $0xFFFFF086  }
0x25: {  	[simem:s6], [sflag:s4] =	dma.local [hbm:s3], $0xF7A  }
0x26: {  	[smem:$0x3F9D] =	sst s1;
	(tag) =	ssettag s2;
	_ =	strace s9  }
0x27: {  	s1 =	sld [smem:$0x3FAD]  }
0x28: {  	s2 =	sld [smem:$0x3FAE]  }
0x29: {  	s4 =	sld [smem:$0x3FB0]  }
0x2a: {  	p0 =	seq.s32 s5, $0x0;
	s5 =	sld [smem:$0x3FB1]  }
0x2b: {  	s6 =	sld [smem:$0x3FB2]  }
0x2c: {  	s7 =	sld [smem:$0x3FB3]  }
0x2d: {  	s3 =	simm.s32 $0x108;
	s8 =	sld [smem:$0x3FB4]  }
0x2e: {  	s3 =	simm.s32 @!p0 $0x1082;
	s9 =	sld [smem:$0x3FB5]  }
0x2f: {  	lr =	sadd.s32 s0, s3;
	s0 =	sld [smem:$0x3FAC]  }
0x30: {  	s3 =	sld [smem:$0x3FAF]  }
0x31: {  	[smem:$0x3FB8] =	sst s10  }
0x32: {  	s10 =	sld [smem:$0x3FB6];
	_ =	sdelay $0x3  }
0x33: {  	p0 =	seq.s32 s10, $0x1;
	s10 =	sld [smem:$0x3FB8];
	_ =	sdelay $0x3  }
0x34: {  	[smem:$0x3FB8] =	sst s10  }
0x35: {  	s10 =	sld [smem:$0x3FB7];
	_ =	sdelay $0x3  }
0x36: {  	p1 =	seq.s32 s10, $0x1;
	s10 =	sld [smem:$0x3FB8];
	_ =	sdelay $0x3  }
0x37: {  	[smem:$0x3FB8] =	sst s10  }
0x38: {  	s10 =	sld [smem:$0x3FB9]  }
0x39: {  	_ = 	snop;
	(pc) =	sbr.ind lr, $3  }
0x3a: {  	_ = 	snop  }
0x3b: {  	_ = 	snop  }
0x3c: {  	p2 =	seq.s32 s10, $0x1;
	s10 =	sld [smem:$0x3FB8]  }
0x3d: {  	_ =	shalt  }
0x3e: {  	_ =	shalt  }
0x3f: {  	_ =	shalt  }
0x40: {  	_ =	shalt  }
0x41: {  	_ =	shalt  }
0x42: {  	_ =	shalt  }
0x43: {  	_ =	shalt  }
0x44: {  	_ =	shalt  }
0x45: {  	_ =	shalt  }
0x46: {  	_ =	shalt  }
0x47: {  	_ =	shalt  }
0x48: {  	_ =	shalt  }
0x49: {  	_ =	shalt  }
0x4a: {  	_ =	shalt  }
0x4b: {  	_ =	shalt  }
0x4c: {  	_ =	shalt  }
0x4d: {  	_ =	shalt  }
0x4e: {  	_ =	shalt  }
0x4f: {  	_ =	shalt  }
0x50: {  	_ =	shalt  }
0x51: {  	_ =	shalt  }
0x52: {  	_ =	shalt  }
0x53: {  	_ =	shalt  }
0x54: {  	_ =	shalt  }
0x55: {  	_ =	shalt  }
0x56: {  	_ =	shalt  }
0x57: {  	_ =	shalt  }
0x58: {  	_ =	shalt  }
0x59: {  	_ =	shalt  }
0x5a: {  	_ =	shalt  }
0x5b: {  	_ =	shalt  }
0x5c: {  	_ =	shalt  }
0x5d: {  	_ =	shalt  }
0x5e: {  	_ =	shalt  }
0x5f: {  	_ =	shalt  }
0x60: {  	_ =	shalt  }
0x61: {  	_ =	shalt  }
0x62: {  	_ =	shalt  }
0x63: {  	_ =	shalt  }
0x64: {  	_ =	shalt  }
0x65: {  	_ =	shalt  }
0x66: {  	_ =	shalt  }
0x67: {  	_ =	shalt  }
0x68: {  	_ =	shalt  }
0x69: {  	_ =	shalt  }
0x6a: {  	_ =	shalt  }
0x6b: {  	_ =	shalt  }
0x6c: {  	_ =	shalt  }
0x6d: {  	_ =	shalt  }
0x6e: {  	_ =	shalt  }
0x6f: {  	_ =	shalt  }
0x70: {  	_ =	shalt  }
0x71: {  	_ =	shalt  }
0x72: {  	_ =	shalt  }
0x73: {  	_ =	shalt  }
0x74: {  	_ =	shalt  }
0x75: {  	_ =	shalt  }
0x76: {  	_ =	shalt  }
0x77: {  	_ =	shalt  }
0x78: {  	_ =	shalt  }
0x79: {  	_ =	shalt  }
0x7a: {  	_ =	shalt  }
0x7b: {  	_ =	shalt  }
0x7c: {  	_ =	shalt  }
0x7d: {  	_ =	shalt  }
0x7e: {  	_ =	shalt  }
0x7f: {  	_ =	shalt  }
0x80: {  	_ =	shalt  }
0x81: {  	_ =	shalt  }
0x82: {  	_ =	shalt  }
0x83: {  	_ =	shalt  }
0x84: {  	_ =	shalt  }
0x85: {  	_ =	shalt  }
0x86: {  	_ =	shalt  }
0x87: {  	_ =	shalt  }
.Lfunc_end0:
.L_simem_size_0:
called_computation.1_lowered:
.L_overlay_start_0:
0x88: {  	s2 =	sld [smem:$0x3FD9]  }
0x89: {  	s3 =	sld [smem:$0x3FFE];
	_ =	sdelay $0x1  }
0x8a: {  	s1 =	srdreg.scid  }
0x8b: {  	s0 =	sand.u32 $0x1, s1  }
0x8c: {  	s17 =	sshll.u32 s0, $0xA;
	s2 =	sadd.s32 s3, s2  }
0x8d: {  	s2 =	sadd.s32 s2, s17  }
0x8e: {  	[smem:$0x3FC4] =	sst s2  }
0x8f: {  	_ = 	snop  }
0x90: {  	(tm) =	ssettm $0x1  }
0x91: {  	s18 =	sld [smem:$0x3FFB];
	_ =	sdelay $0x3  }
0x92: {  	_ =	strace s18  }
0x93: {  	s2 =	sld [smem:$0x3FFC];
	_ =	sdelay $0x3  }
0x94: {  	_ =	strace s2  }
0x95: {  	s2 =	sld [smem:$0x3FFD];
	_ =	sdelay $0x3  }
0x96: {  	_ =	strace s2  }
0x97: {  	_ =	strace $0x8FFFFFFF  }
0x98: {  	s19 =	sld [smem:$0x3FDB];
	_ =	sdelay $0x1  }
0x99: {  	s20 =	simm.s32 $_scs_section_size  }
0x9a: {  	s4 =	simm.s32 $_size__tile_overlayer_lowered;
	s5 =	simm.s32 $_tile_overlayer_lowered  }
0x9b: {  	s6 =	simm.s32 $0x1BFF;
	s21 =	sshll.u32 s5, $0x1;
	s3 =	sadd.s32 s20, s19  }
0x9c: {  	s22 =	simm.s32 $0x0;
	s4 =	sshll.u32 s4, $0x1;
	s5 =	sadd.s32 s21, s3  }
0x9d: {  	[timem:s22], [sflag:s6] =	dma.local [hbm:s5], s4  }
0x9e: {  	_ =	swait.ge [sflag:s6], s4  }
0x9f: {  	s4 =	ssub.s32 $0x0, s4;
	[sflag:s6] =	ssyncset.done $0x0  }
0xa0: {  	[sflag:s6] =	ssyncadd.s32 s4;
	_ =	sdelay $0x1  }
0xa1: {  	s23 =	simm.s32 $0x1B8B  }
0xa2: {  	_ =	swait.ge [sflag:s23], $0x1  }
0xa3: {  	[sflag:s23] =	ssyncset.done $0x0  }
0xa4: {  	[sflag:s23] =	ssyncadd.s32 $0xFFFFFFFF  }
0xa5: {  	s4 =	sld [smem:$0x0]  }
0xa6: {  	s5 =	sand.u32 $0xFFFFFFFE, s1  }
0xa7: {  	p0 =	sne.s32 s1, s5  }
0xa8: {  	s5 =	sshll.u32 @p0 s5, $0xE  }
0xa9: {  	s5 =	sadd.s32 @p0 $0x11B8D, s5;
	s6 =	sshll.u32 @p0 s4, $0x11  }
0xaa: {  	s5 =	sor.u32 @p0 s6, s5  }
0xab: {  	[sflag:s5] =	ssyncadd.remote.s32 @p0 $0x1;
	_ =	sdelay $0x1  }
0xac: {  	s5 =	simm.s32 @p0 $0x1B8D  }
0xad: {  	_ =	swait.eq @p0 [sflag:s5], $0x1  }
0xae: {  	[sflag:s5] =	ssyncadd.s32 @p0 $0xFFFFFFFF  }
0xaf: {  	s6 =	sshll.u32 @!p0 s1, $0xE  }
0xb0: {  	s6 =	sor.u32 @!p0 $0x4000, s6;
	s5 =	simm.s32 @!p0 $0x1B8D  }
0xb1: {  	s4 =	sshll.u32 @!p0 s4, $0x11;
	s6 =	sadd.s32 @!p0 $0x11B8D, s6;
	_ =	swait.eq @!p0 [sflag:s5], $0x1  }
0xb2: {  	s4 =	sor.u32 @!p0 s4, s6;
	[sflag:s5] =	ssyncadd.s32 @!p0 $0xFFFFFFFF  }
0xb3: {  	s25 =	simm.s32 $0x1B8E;
	s24 =	sld [smem:$0x3FFE];
	[sflag:s4] =	ssyncadd.remote.s32 @!p0 $0x1  }
0xb4: {  	s26 =	simm.s32 $execute0_lowered;
	[smem:$0x3FD2] =	sst s25  }
0xb5: {  	s5 =	sshll.u32 s26, $0x1;
	_ =	strace $0x80000049;
	[dreg:$0x1] =	wrdreg $0xFFFFFFFF  }
0xb6: {  	s28 =	simm.s32 $_size_execute0_lowered;
	s3 =	sadd.s32 s3, s5;
	[dreg:$0x0] =	wrdreg $0x0  }
0xb7: {  	s5 =	sshll.u32 s28, $0x1;
	[dreg:$0x2] =	wrdreg s3  }
0xb8: {  	[dreg:$0x3] =	wrdreg s5  }
0xb9: {  	[dreg:$0x4] =	wrdreg $0xC0  }
0xba: {  	_ =	task [dreg:s22], $0x5FFFF  }
0xbb: {  	[dreg:$0x1] =	wrdreg $0xFFFFFFFF  }
0xbc: {  	[dreg:$0x0] =	wrdreg $0x60  }
0xbd: {  	[dreg:$0x2] =	wrdreg s24  }
0xbe: {  	[dreg:$0x3] =	wrdreg $0xA  }
0xbf: {  	_ =	task.clear_ibuf [dreg:s22], $0x4FFFF;
	_ =	strace $0x90000049  }
0xc0: {  	s29 =	simm.s32 $0xA;
	_ =	strace $0x8000004B  }
0xc1: {  	_ =	swait.ge [sflag:s29], $0x1  }
0xc2: {  	[sflag:s29] =	ssyncadd.s32 $0xFFFFFFFF  }
0xc3: {  	_ =	strace $0x9000004B  }
0xc4: {  	_ =	sfence  }
0xc5: {  	s30 =	sld [smem:$0x0];
	_ =	sdelay $0x2  }
0xc6: {  	s31 =	sshll.u32 s1, $0xD;
	s1 =	sshrl.u32 s1, $0x2  }
0xc7: {  	s4 =	sand.u32 $0x4000, s31;
	s1 =	sadd.s32 s1, s30  }
0xc8: {  	s0 =	sor.u32 s4, s0;
	s1 =	sshll.u32 s1, $0x11  }
0xc9: {  	s0 =	sor.u32 s1, s0  }
0xca: {  	s0 =	sadd.s32 $0x8F2B, s0  }
0xcb: {  	[sflag:s0] =	ssyncadd.remote.s32 $0x1  }
0xcc: {  	_ =	sfence.sel $0xFFFF  }
0xcd: {  	[dreg:$0x0] =	wrdreg $0xFFFFFFFF;
	(pc) =	sbr.abs _section_cstart, $3  }
0xce: {  	[dreg:$0x1] =	wrdreg $0xFFFFFFFF  }
0xcf: {  	_ =	task.clear_ibuf [dreg:s22], $0x2FFFF;
	_ =	strace $0x9FFFFFFF  }
0xd0: {  	(tm) =	ssettm $0x7FFFFFFF  }
0xd1: {  	_ =	shalt  }
tec
execute0_lowered:
.L_overlay_start_1:
0x0: {  	(tag) =	ssettag $0x1  }
0x1: {  	s4 =	rddreg [dreg:$0x0]  }
0x2: {  	s0 =	rddreg [dreg:$0x1];
	s1 =	stileid.u32  }
0x3: {  	s2 =	simm.s32 $0x0;
	s5 =	srdreg.scid;
	s11 =	simm.s32 $0x100  }
0x4: {  	s12 =	simm.s32 $0x8200;
	s13 =	simm.s32 $0x180;
	s14 =	simm.s32 $0xC200  }
0x5: {  	s15 =	simm.s32 $0x1;
	s16 =	simm.s32 $0x0;
	s3 =	smul.u32 $0xC80, s1  }
0x6: {  	[smem:$0x7FF] =	sst s2;
	s6 =	smul.u32 $0x64000, s1;
	s5 =	sand.u32 $0x1, s5  }
0x7: {  	_ =	strace $0x8000004A;
	s7 =	ssub.s32 $0x2, s5;
	s8 =	smul.u32 $0x32000, s5  }
0x8: {  	s5 =	smul.u32 $0x640, s5;
	s9 =	sadd.s32 s3, s4;
	s10 =	sshrl.u32 s7, $0x1  }
0x9: {  	s3 =	sadd.s32 $0xA00, s4;
	s6 =	sadd.s32 s6, s4;
	s30 =	ssub.s32 s7, s10  }
0xa: {  	s6 =	sadd.s32 s8, s6;
	s31 =	sadd.s32 s5, s9;
	s7 =	simm.s32 $0x2  }
0xb: {  	s8 =	simm.s32 $0x80;
	s9 =	simm.s32 $0x200;
	s10 =	simm.s32 $0x4200  }
0xc: {  	s4 =	smax.u32 s30, $0x1;
	s5 =	sadd.s32 $0x158F600, s6;
	s6 =	sadd.s32 $0x1582E00, s31  }
.LBB2_1:
0xd: {  	s17 =	sadd.s32 $0x0, s6  }
0xe: {  	[tilespmem:s2], [sflag:$0x2] =	stream.linear.gather [hbm4b:s17+s2], $0x200, $0x38;
	[tilespmem:$0x10200] =	vst v63  }
0xf: {  	_ =	swait.ge [sflag:s7], $0x200  }
0x10: {  	[sflag:s7] =	ssyncset.done $0x0  }
0x11: {  	[sflag:s7] =	ssyncadd.s32 $0xFFFFFE00  }
0x12: {  	[tilespmem:s9], [sflag:$0x1] =	stream.indirect.gather [hbm4b:s3+s8], $0x80, s2, s8, $0xb8;
	[tilespmem:$0x10200] =	vst v63  }
0x13: {  	_ = 	snop  }
0x14: {  	[tilespmem:s10], [sflag:$0x1] =	stream.indirect.gather [hbm4b:s3+s8], $0x80, s8, s8, $0xb8;
	[tilespmem:$0x10200] =	vst v63  }
0x15: {  	_ = 	snop  }
0x16: {  	[tilespmem:s12], [sflag:$0x1] =	stream.indirect.gather [hbm4b:s3+s8], $0x80, s11, s8, $0xb8;
	[tilespmem:$0x10200] =	vst v63  }
0x17: {  	_ = 	snop  }
0x18: {  	[tilespmem:s14], [sflag:$0x1] =	stream.indirect.gather [hbm4b:s3+s8], $0x80, s13, s8, $0xb8;
	[tilespmem:$0x10200] =	vst v63  }
0x19: {  	_ =	swait.ge [sflag:s15], $0x4000  }
0x1a: {  	[sflag:s15] =	ssyncset.done $0x0  }
0x1b: {  	[sflag:s15] =	ssyncadd.s32 $0xFFFFC000  }
0x1c: {  	_ =	swait.ge [sflag:s15], $0x4000  }
0x1d: {  	[sflag:s15] =	ssyncset.done $0x0  }
0x1e: {  	[sflag:s15] =	ssyncadd.s32 $0xFFFFC000  }
0x1f: {  	_ =	swait.ge [sflag:s15], $0x4000  }
0x20: {  	[sflag:s15] =	ssyncset.done $0x0  }
0x21: {  	[sflag:s15] =	ssyncadd.s32 $0xFFFFC000  }
0x22: {  	_ =	swait.ge [sflag:s15], $0x4000  }
0x23: {  	[sflag:s15] =	ssyncset.done $0x0  }
0x24: {  	[sflag:s15] =	ssyncadd.s32 $0xFFFFC000  }
0x25: {  	[hbm4b:s5+s2] =	stream.linear.scatter [tilespmem:s9], [sflag:$0x2], $0x10000, $0x38;
	[tilespmem:$0x10200] =	vst v63  }
0x26: {  	s18 =	simm.s32 $0x40;
	_ =	swait.ge [sflag:s7], $0x10000  }
0x27: {  	s19 =	simm.s32 $0x80;
	s17 =	sadd.s32 $0x2000, s5;
	[sflag:s7] =	ssyncset.done $0x0  }
.LBB2_2:
0x28: {  	s20 =	sadd.s32 s18, s6  }
0x29: {  	[sflag:s7] =	ssyncadd.s32 $0xFFFF0000;
	s18 =	smov.u32 s19;
	s21 =	sadd.s32 $0x40, s19  }
0x2a: {  	[tilespmem:s2], [sflag:$0x2] =	stream.linear.gather [hbm4b:s20+s2], $0x200, $0x38;
	[tilespmem:$0x10200] =	vst v63  }
0x2b: {  	p0 =	sne.s32 s19, $0x600;
	_ =	swait.ge [sflag:s7], $0x200  }
0x2c: {  	[sflag:s7] =	ssyncset.done $0x0  }
0x2d: {  	[sflag:s7] =	ssyncadd.s32 $0xFFFFFE00  }
0x2e: {  	[tilespmem:s9], [sflag:$0x1] =	stream.indirect.gather [hbm4b:s3+s8], $0x80, s2, s8, $0xb8;
	[tilespmem:$0x10200] =	vst v63  }
0x2f: {  	_ = 	snop  }
0x30: {  	[tilespmem:s10], [sflag:$0x1] =	stream.indirect.gather [hbm4b:s3+s8], $0x80, s8, s8, $0xb8;
	[tilespmem:$0x10200] =	vst v63  }
0x31: {  	_ = 	snop  }
0x32: {  	[tilespmem:s12], [sflag:$0x1] =	stream.indirect.gather [hbm4b:s3+s8], $0x80, s11, s8, $0xb8;
	[tilespmem:$0x10200] =	vst v63  }
0x33: {  	_ = 	snop  }
0x34: {  	[tilespmem:s14], [sflag:$0x1] =	stream.indirect.gather [hbm4b:s3+s8], $0x80, s13, s8, $0xb8;
	[tilespmem:$0x10200] =	vst v63  }
0x35: {  	_ =	swait.ge [sflag:s15], $0x4000  }
0x36: {  	[sflag:s15] =	ssyncset.done $0x0  }
0x37: {  	[sflag:s15] =	ssyncadd.s32 $0xFFFFC000  }
0x38: {  	_ =	swait.ge [sflag:s15], $0x4000  }
0x39: {  	[sflag:s15] =	ssyncset.done $0x0  }
0x3a: {  	[sflag:s15] =	ssyncadd.s32 $0xFFFFC000  }
0x3b: {  	_ =	swait.ge [sflag:s15], $0x4000  }
0x3c: {  	[sflag:s15] =	ssyncset.done $0x0  }
0x3d: {  	[sflag:s15] =	ssyncadd.s32 $0xFFFFC000  }
0x3e: {  	_ =	swait.ge [sflag:s15], $0x4000  }
.Ltmp0:
0x3f: {  	[sflag:s15] =	ssyncset.done $0x0;
	(pc) =	sbr.rel @p0 .LBB2_2-.Ltmp0, $4  }
0x40: {  	[sflag:s15] =	ssyncadd.s32 $0xFFFFC000  }
0x41: {  	[hbm4b:s17+s2] =	stream.linear.scatter [tilespmem:s9], [sflag:$0x2], $0x10000, $0x38;
	[tilespmem:$0x10200] =	vst v63  }
0x42: {  	_ =	swait.ge [sflag:s7], $0x10000  }
0x43: {  	s19 =	smov.u32 s21;
	s17 =	sadd.s32 $0x2000, s17;
	[sflag:s7] =	ssyncset.done $0x0  }
0x44: {  	s18 =	sadd.s32 s18, s6;
	[sflag:s7] =	ssyncadd.s32 $0xFFFF0000  }
0x45: {  	[tilespmem:s2], [sflag:$0x2] =	stream.linear.gather [hbm4b:s18+s2], $0x200, $0x38;
	[tilespmem:$0x10200] =	vst v63  }
0x46: {  	_ =	swait.ge [sflag:s7], $0x200  }
0x47: {  	[sflag:s7] =	ssyncset.done $0x0  }
0x48: {  	[sflag:s7] =	ssyncadd.s32 $0xFFFFFE00  }
0x49: {  	[tilespmem:s9], [sflag:$0x1] =	stream.indirect.gather [hbm4b:s3+s8], $0x80, s2, s8, $0xb8;
	[tilespmem:$0x10200] =	vst v63  }
0x4a: {  	_ = 	snop  }
0x4b: {  	[tilespmem:s10], [sflag:$0x1] =	stream.indirect.gather [hbm4b:s3+s8], $0x80, s8, s8, $0xb8;
	[tilespmem:$0x10200] =	vst v63  }
0x4c: {  	_ = 	snop  }
0x4d: {  	[tilespmem:s12], [sflag:$0x1] =	stream.indirect.gather [hbm4b:s3+s8], $0x80, s11, s8, $0xb8;
	[tilespmem:$0x10200] =	vst v63  }
0x4e: {  	_ = 	snop  }
0x4f: {  	[tilespmem:s14], [sflag:$0x1] =	stream.indirect.gather [hbm4b:s3+s8], $0x80, s13, s8, $0xb8;
	[tilespmem:$0x10200] =	vst v63  }
0x50: {  	_ =	swait.ge [sflag:s15], $0x4000  }
0x51: {  	[sflag:s15] =	ssyncset.done $0x0  }
0x52: {  	[sflag:s15] =	ssyncadd.s32 $0xFFFFC000  }
0x53: {  	_ =	swait.ge [sflag:s15], $0x4000  }
0x54: {  	[sflag:s15] =	ssyncset.done $0x0  }
0x55: {  	[sflag:s15] =	ssyncadd.s32 $0xFFFFC000  }
0x56: {  	_ =	swait.ge [sflag:s15], $0x4000  }
0x57: {  	[sflag:s15] =	ssyncset.done $0x0  }
0x58: {  	[sflag:s15] =	ssyncadd.s32 $0xFFFFC000  }
0x59: {  	s16 =	sadd.s32 $0x1, s16;
	_ =	swait.ge [sflag:s15], $0x4000  }
0x5a: {  	p0 =	sne.s32 s16, s4;
	[sflag:s15] =	ssyncset.done $0x0  }
.Ltmp1:
0x5b: {  	[sflag:s15] =	ssyncadd.s32 $0xFFFFC000;
	(pc) =	sbr.rel @p0 .LBB2_1-.Ltmp1, $4  }
0x5c: {  	[hbm4b:s17+s2] =	stream.linear.scatter [tilespmem:s9], [sflag:$0x2], $0x10000, $0x38;
	[tilespmem:$0x10200] =	vst v63  }
0x5d: {  	_ =	swait.ge [sflag:s7], $0x10000  }
0x5e: {  	[sflag:s7] =	ssyncset.done $0x0  }
0x5f: {  	[sflag:s7] =	ssyncadd.s32 $0xFFFF0000  }
0x60: {  	_ =	sfence.sel $0x180000  }
0x61: {  	[bflag:$0x0] =	sbarrier.arrive $0xFFFF  }
0x62: {  	p0 =	sne.s32 s1, $0x0;
	_ =	strace $0x9000004A  }
0x63: {  	s0 =	sadd.s32 @!p0 $0x100000, s0;
	[bflag:$0x2] =	sbarrier.arrive $0xFFFF  }
0x64: {  	[sflag:s0] =	ssyncadd.tile.s32 @!p0 $0x1;
	_ =	shalt  }
.Lfunc_end2:
_tile_overlayer_lowered:
.L_overlay_start_2:
0x65: {  	(tag) =	ssettag $0x2  }
0x66: {  	s0 =	rddreg [dreg:$0x0];
	s2 =	stileid.u32  }
0x67: {  	s1 =	rddreg [dreg:$0x1];
	p0 =	sne.s32 s2, $0x0  }
0x68: {  	s3 =	rddreg [dreg:$0x2];
	[bflag:$0x3] =	sbarrier.arrive $0xFFFF;
	s2 =	simm.s32 @!p0 $0x1C02  }
0x69: {  	[timem:s3], [sflag:s2] =	dma.local @!p0 [hbm:s0], s1  }
0x6a: {  	s0 =	simm.s32 @!p0 $0x2  }
0x6b: {  	_ =	swait.ge @!p0 [sflag:s0], s1  }
0x6c: {  	s1 =	ssub.s32 @!p0 $0x0, s1;
	[sflag:s0] =	ssyncset.done @!p0 $0x0  }
0x6d: {  	[sflag:s0] =	ssyncadd.s32 @!p0 s1  }
0x6e: {  	[bflag:$0x3] =	sbarrier.arrive $0xFFFF  }
0x6f: {  	_ =	shalt  }

// kernel: kernel.7.cloned.1.call-start
scs
__scs_entry_jumppad:
0x0: {  	(pc) =	sbr.rel $0x88, $3  }
0x1: {  	(tag) =	ssettag $0x0;
	lr =	simm.s32 $0x1  }
0x2: {  	[smem:$0x3F9D] =	sst lr;
	_ =	strace $0xD0000000  }
0x3: {  	_ = 	snop  }
0x4: {  	_ = 	snop  }
0x5: {  	_ = 	snop  }
0x6: {  	_ = 	snop  }
0x7: {  	_ = 	snop  }
__scs_overlays_trampoline_lowered:
0x8: {  	[smem:$0x3FAC] =	sst s0  }
0x9: {  	[smem:$0x3FAD] =	sst s1  }
0xa: {  	[smem:$0x3FAE] =	sst s2  }
0xb: {  	[smem:$0x3FAF] =	sst s3  }
0xc: {  	[smem:$0x3FB0] =	sst s4  }
0xd: {  	[smem:$0x3FB1] =	sst s5  }
0xe: {  	[smem:$0x3FB2] =	sst s6  }
0xf: {  	[smem:$0x3FB3] =	sst s7  }
0x10: {  	[smem:$0x3FB4] =	sst s8  }
0x11: {  	[smem:$0x3FB5] =	sst s9;
	s0 =	simm.s32 @!p0 $0x0  }
0x12: {  	s1 =	sld [smem:$0x3F9B];
	s0 =	simm.s32 @p0 $0x1  }
0x13: {  	[smem:$0x3FB6] =	sst s0;
	s0 =	simm.s32 @!p1 $0x0  }
0x14: {  	s2 =	sld [smem:$0x3F9A];
	s0 =	simm.s32 @p1 $0x1  }
0x15: {  	[smem:$0x3FB7] =	sst s0;
	s0 =	simm.s32 @!p2 $0x0  }
0x16: {  	s3 =	sld [smem:$0x3FDB];
	s0 =	simm.s32 @p2 $0x1  }
0x17: {  	s4 =	simm.s32 $0x1BF5;
	[smem:$0x3FB9] =	sst s0  }
0x18: {  	s0 =	sld [smem:$0x3F9C];
	_ =	swait.ge [sflag:s4], $0x0  }
0x19: {  	s7 =	sld [smem:$0x3F9D]  }
0x1a: {  	s8 =	sadd.s32 $0xFFFFE003, lr  }
0x1b: {  	s9 =	sadd.s32 $0xFFFFFEF7, lr;
	s5 =	simm.s32 $0xFFFFFFFF;
	p2 =	slt.u32 s8, $0xFFFFF086  }
0x1c: {  	p1 =	slt.u32 s9, $0xF7A;
	s5 =	simm.s32 @!p2 $0x0  }
0x1d: {  	s5 =	simm.s32 @p1 $0x1;
	p0 =	seq.s32 s7, s2  }
0x1e: {  	s7 =	smul.u32 @!p0 $0xF7A, s2;
	p2 =	seq.s32 @!p0 s5, $0x0  }
0x1f: {  	s9 =	smul.u32 $0xF7A, s1;
	s8 =	simm.s32 @!p0 $0x1BF5;
	p2 =	por !p2, p0  }
0x20: {  	[sflag:s8] =	ssyncset.s32 @!p0 $0xFFFFF086;
	s6 =	sadd.s32 @!p0 s3, s7;
	s7 =	simm.s32 @!p0 $0x108  }
0x21: {  	s3 =	sadd.s32 s3, s9;
	s6 =	sadd.s32 @!p0 $0x88, s6;
	s7 =	simm.s32 @p2 $0x1082  }
0x22: {  	[simem:s7], [sflag:s8] =	dma.local @!p0 [hbm:s6], $0xF7A  }
0x23: {  	s9 =	sor.u32 $0xD0000000, s2;
	s6 =	simm.s32 $0x108;
	_ =	swait.ge @!p0 [sflag:s8], $0x0  }
0x24: {  	s3 =	sadd.s32 $0x88, s3;
	s6 =	simm.s32 @!p1 $0x1082;
	[sflag:s4] =	ssyncset.s32 $0xFFFFF086  }
0x25: {  	[simem:s6], [sflag:s4] =	dma.local [hbm:s3], $0xF7A  }
0x26: {  	[smem:$0x3F9D] =	sst s1;
	(tag) =	ssettag s2;
	_ =	strace s9  }
0x27: {  	s1 =	sld [smem:$0x3FAD]  }
0x28: {  	s2 =	sld [smem:$0x3FAE]  }
0x29: {  	s4 =	sld [smem:$0x3FB0]  }
0x2a: {  	p0 =	seq.s32 s5, $0x0;
	s5 =	sld [smem:$0x3FB1]  }
0x2b: {  	s6 =	sld [smem:$0x3FB2]  }
0x2c: {  	s7 =	sld [smem:$0x3FB3]  }
0x2d: {  	s3 =	simm.s32 $0x108;
	s8 =	sld [smem:$0x3FB4]  }
0x2e: {  	s3 =	simm.s32 @!p0 $0x1082;
	s9 =	sld [smem:$0x3FB5]  }
0x2f: {  	lr =	sadd.s32 s0, s3;
	s0 =	sld [smem:$0x3FAC]  }
0x30: {  	s3 =	sld [smem:$0x3FAF]  }
0x31: {  	[smem:$0x3FB8] =	sst s10  }
0x32: {  	s10 =	sld [smem:$0x3FB6];
	_ =	sdelay $0x3  }
0x33: {  	p0 =	seq.s32 s10, $0x1;
	s10 =	sld [smem:$0x3FB8];
	_ =	sdelay $0x3  }
0x34: {  	[smem:$0x3FB8] =	sst s10  }
0x35: {  	s10 =	sld [smem:$0x3FB7];
	_ =	sdelay $0x3  }
0x36: {  	p1 =	seq.s32 s10, $0x1;
	s10 =	sld [smem:$0x3FB8];
	_ =	sdelay $0x3  }
0x37: {  	[smem:$0x3FB8] =	sst s10  }
0x38: {  	s10 =	sld [smem:$0x3FB9]  }
0x39: {  	_ = 	snop;
	(pc) =	sbr.ind lr, $3  }
0x3a: {  	_ = 	snop  }
0x3b: {  	_ = 	snop  }
0x3c: {  	p2 =	seq.s32 s10, $0x1;
	s10 =	sld [smem:$0x3FB8]  }
0x3d: {  	_ =	shalt  }
0x3e: {  	_ =	shalt  }
0x3f: {  	_ =	shalt  }
0x40: {  	_ =	shalt  }
0x41: {  	_ =	shalt  }
0x42: {  	_ =	shalt  }
0x43: {  	_ =	shalt  }
0x44: {  	_ =	shalt  }
0x45: {  	_ =	shalt  }
0x46: {  	_ =	shalt  }
0x47: {  	_ =	shalt  }
0x48: {  	_ =	shalt  }
0x49: {  	_ =	shalt  }
0x4a: {  	_ =	shalt  }
0x4b: {  	_ =	shalt  }
0x4c: {  	_ =	shalt  }
0x4d: {  	_ =	shalt  }
0x4e: {  	_ =	shalt  }
0x4f: {  	_ =	shalt  }
0x50: {  	_ =	shalt  }
0x51: {  	_ =	shalt  }
0x52: {  	_ =	shalt  }
0x53: {  	_ =	shalt  }
0x54: {  	_ =	shalt  }
0x55: {  	_ =	shalt  }
0x56: {  	_ =	shalt  }
0x57: {  	_ =	shalt  }
0x58: {  	_ =	shalt  }
0x59: {  	_ =	shalt  }
0x5a: {  	_ =	shalt  }
0x5b: {  	_ =	shalt  }
0x5c: {  	_ =	shalt  }
0x5d: {  	_ =	shalt  }
0x5e: {  	_ =	shalt  }
0x5f: {  	_ =	shalt  }
0x60: {  	_ =	shalt  }
0x61: {  	_ =	shalt  }
0x62: {  	_ =	shalt  }
0x63: {  	_ =	shalt  }
0x64: {  	_ =	shalt  }
0x65: {  	_ =	shalt  }
0x66: {  	_ =	shalt  }
0x67: {  	_ =	shalt  }
0x68: {  	_ =	shalt  }
0x69: {  	_ =	shalt  }
0x6a: {  	_ =	shalt  }
0x6b: {  	_ =	shalt  }
0x6c: {  	_ =	shalt  }
0x6d: {  	_ =	shalt  }
0x6e: {  	_ =	shalt  }
0x6f: {  	_ =	shalt  }
0x70: {  	_ =	shalt  }
0x71: {  	_ =	shalt  }
0x72: {  	_ =	shalt  }
0x73: {  	_ =	shalt  }
0x74: {  	_ =	shalt  }
0x75: {  	_ =	shalt  }
0x76: {  	_ =	shalt  }
0x77: {  	_ =	shalt  }
0x78: {  	_ =	shalt  }
0x79: {  	_ =	shalt  }
0x7a: {  	_ =	shalt  }
0x7b: {  	_ =	shalt  }
0x7c: {  	_ =	shalt  }
0x7d: {  	_ =	shalt  }
0x7e: {  	_ =	shalt  }
0x7f: {  	_ =	shalt  }
0x80: {  	_ =	shalt  }
0x81: {  	_ =	shalt  }
0x82: {  	_ =	shalt  }
0x83: {  	_ =	shalt  }
0x84: {  	_ =	shalt  }
0x85: {  	_ =	shalt  }
0x86: {  	_ =	shalt  }
0x87: {  	_ =	shalt  }
.Lfunc_end0:
.L_simem_size_0:
called_computation_lowered:
.L_overlay_start_0:
0x88: {  	s2 =	sld [smem:$0x3FD9]  }
0x89: {  	s3 =	sld [smem:$0x3FFE];
	_ =	sdelay $0x1  }
0x8a: {  	s1 =	srdreg.scid  }
0x8b: {  	s0 =	sand.u32 $0x1, s1  }
0x8c: {  	s17 =	sshll.u32 s0, $0xA;
	s2 =	sadd.s32 s3, s2  }
0x8d: {  	s2 =	sadd.s32 s2, s17  }
0x8e: {  	[smem:$0x3FC4] =	sst s2  }
0x8f: {  	_ = 	snop  }
0x90: {  	s2 =	sld [smem:$0x3FD0];
	(tm) =	ssettm $0x1  }
0x91: {  	s18 =	sld [smem:$0x3FFB];
	_ =	sdelay $0x3  }
0x92: {  	_ =	strace s18  }
0x93: {  	s3 =	sld [smem:$0x3FFC];
	_ =	sdelay $0x3  }
0x94: {  	_ =	strace s3  }
0x95: {  	s3 =	sld [smem:$0x3FFD];
	_ =	sdelay $0x3  }
0x96: {  	_ =	strace s3  }
0x97: {  	_ =	strace $0x8FFFFFFF  }
0x98: {  	s19 =	sld [smem:$0x3FDB];
	_ =	sdelay $0x1  }
0x99: {  	s4 =	simm.s32 $_scs_section_size  }
0x9a: {  	s5 =	simm.s32 $_size__tile_overlayer_lowered;
	s6 =	simm.s32 $_tile_overlayer_lowered  }
0x9b: {  	s22 =	simm.s32 $0x1BFF;
	s21 =	sshll.u32 s6, $0x1;
	s3 =	sadd.s32 s4, s19  }
0x9c: {  	s7 =	simm.s32 $0x0;
	s20 =	sshll.u32 s5, $0x1;
	s5 =	sadd.s32 s21, s3  }
0x9d: {  	[timem:s7], [sflag:s22] =	dma.local [hbm:s5], s20  }
0x9e: {  	_ =	swait.ge [sflag:s22], s20  }
0x9f: {  	s4 =	ssub.s32 $0x0, s20;
	[sflag:s22] =	ssyncset.done $0x0  }
0xa0: {  	[sflag:s22] =	ssyncadd.s32 s4;
	_ =	sdelay $0x1  }
0xa1: {  	s23 =	simm.s32 $0x1B8B  }
0xa2: {  	_ =	swait.ge [sflag:s23], $0x1  }
0xa3: {  	[sflag:s23] =	ssyncset.done $0x0  }
0xa4: {  	s25 =	simm.s32 $0x1B8E;
	s24 =	sld [smem:$0x3FFE];
	[sflag:s23] =	ssyncadd.s32 $0xFFFFFFFF  }
0xa5: {  	s26 =	simm.s32 $execute0_lowered;
	[smem:$0x3FD2] =	sst s25  }
0xa6: {  	s5 =	sshll.u32 s26, $0x1;
	_ =	strace $0x80000046;
	[dreg:$0x1] =	wrdreg $0xFFFFFFFF  }
0xa7: {  	s28 =	simm.s32 $_size_execute0_lowered;
	s3 =	sadd.s32 s3, s5;
	[dreg:$0x0] =	wrdreg $0x0  }
0xa8: {  	s5 =	sshll.u32 s28, $0x1;
	[dreg:$0x2] =	wrdreg s3  }
0xa9: {  	[dreg:$0x3] =	wrdreg s5  }
0xaa: {  	[dreg:$0x4] =	wrdreg $0xC0  }
0xab: {  	_ =	task [dreg:s7], $0x5FFFF  }
0xac: {  	[dreg:$0x1] =	wrdreg $0xFFFFFFFF  }
0xad: {  	[dreg:$0x0] =	wrdreg $0x60  }
0xae: {  	[dreg:$0x2] =	wrdreg s2  }
0xaf: {  	[dreg:$0x3] =	wrdreg s24  }
0xb0: {  	[dreg:$0x4] =	wrdreg $0x9  }
0xb1: {  	_ =	task.clear_ibuf [dreg:s7], $0x5FFFF;
	_ =	strace $0x90000046  }
0xb2: {  	s29 =	simm.s32 $0x9;
	_ =	strace $0x80000048  }
0xb3: {  	_ =	swait.ge [sflag:s29], $0x1  }
0xb4: {  	[sflag:s29] =	ssyncadd.s32 $0xFFFFFFFF  }
0xb5: {  	_ =	strace $0x90000048  }
0xb6: {  	_ =	sfence  }
0xb7: {  	s30 =	sld [smem:$0x0];
	_ =	sdelay $0x2  }
0xb8: {  	s31 =	sshll.u32 s1, $0xD;
	s1 =	sshrl.u32 s1, $0x2  }
0xb9: {  	s3 =	sand.u32 $0x4000, s31;
	s1 =	sadd.s32 s1, s30  }
0xba: {  	s0 =	sor.u32 s3, s0;
	s1 =	sshll.u32 s1, $0x11  }
0xbb: {  	s0 =	sor.u32 s1, s0  }
0xbc: {  	s0 =	sadd.s32 $0x8F2B, s0  }
0xbd: {  	[sflag:s0] =	ssyncadd.remote.s32 $0x1  }
0xbe: {  	_ =	sfence.sel $0xFFFF  }
0xbf: {  	[dreg:$0x0] =	wrdreg $0xFFFFFFFF;
	(pc) =	sbr.abs _section_cstart, $3  }
0xc0: {  	[dreg:$0x1] =	wrdreg $0xFFFFFFFF  }
0xc1: {  	_ =	task.clear_ibuf [dreg:s7], $0x2FFFF;
	_ =	strace $0x9FFFFFFF  }
0xc2: {  	(tm) =	ssettm $0x7FFFFFFF  }
0xc3: {  	_ =	shalt  }
tec
execute0_lowered:
.L_overlay_start_1:
0x0: {  	(tag) =	ssettag $0x1  }
0x1: {  	s5 =	rddreg [dreg:$0x0]  }
0x2: {  	s4 =	rddreg [dreg:$0x1]  }
0x3: {  	s0 =	rddreg [dreg:$0x2]  }
0x4: {  	s2 =	simm.s32 $0x0;
	s1 =	stileid.u32;
	s3 =	srdreg.scid  }
0x5: {  	s12 =	simm.s32 $0x8200;
	s13 =	simm.s32 $0x180;
	s14 =	simm.s32 $0xC200  }
0x6: {  	s15 =	simm.s32 $0x1;
	s16 =	simm.s32 $0x0;
	s6 =	smul.u32 $0x64000, s1  }
0x7: {  	[smem:$0x7FF] =	sst s2;
	s7 =	sand.u32 $0x1, s3;
	s11 =	smul.u32 $0xC80, s1  }
0x8: {  	s3 =	sadd.s32 $0xA00, s4;
	s8 =	ssub.s32 $0x2, s7;
	s9 =	smul.u32 $0x32000, s7  }
0x9: {  	_ =	strace $0x80000047;
	s7 =	smul.u32 $0x640, s7;
	s10 =	sshrl.u32 s8, $0x1  }
0xa: {  	s6 =	sadd.s32 s6, s4;
	s31 =	sadd.s32 s11, s5;
	s11 =	simm.s32 $0x100  }
0xb: {  	s30 =	ssub.s32 s8, s10;
	s6 =	sadd.s32 s9, s6;
	s8 =	simm.s32 $0x80  }
0xc: {  	s9 =	simm.s32 $0x200;
	s10 =	simm.s32 $0x4200;
	s4 =	smax.u32 s30, $0x1  }
0xd: {  	s5 =	sadd.s32 $0xF42E00, s6;
	s6 =	sadd.s32 s7, s31;
	s7 =	simm.s32 $0x2  }
.LBB2_1:
0xe: {  	s17 =	sadd.s32 $0x0, s6  }
0xf: {  	[tilespmem:s2], [sflag:$0x2] =	stream.linear.gather [hbm4b:s17+s2], $0x200, $0x38;
	[tilespmem:$0x10200] =	vst v63  }
0x10: {  	_ =	swait.ge [sflag:s7], $0x200  }
0x11: {  	[sflag:s7] =	ssyncset.done $0x0  }
0x12: {  	[sflag:s7] =	ssyncadd.s32 $0xFFFFFE00  }
0x13: {  	[tilespmem:s9], [sflag:$0x1] =	stream.indirect.gather [hbm4b:s3+s8], $0x80, s2, s8, $0xb8;
	[tilespmem:$0x10200] =	vst v63  }
0x14: {  	_ = 	snop  }
0x15: {  	[tilespmem:s10], [sflag:$0x1] =	stream.indirect.gather [hbm4b:s3+s8], $0x80, s8, s8, $0xb8;
	[tilespmem:$0x10200] =	vst v63  }
0x16: {  	_ = 	snop  }
0x17: {  	[tilespmem:s12], [sflag:$0x1] =	stream.indirect.gather [hbm4b:s3+s8], $0x80, s11, s8, $0xb8;
	[tilespmem:$0x10200] =	vst v63  }
0x18: {  	_ = 	snop  }
0x19: {  	[tilespmem:s14], [sflag:$0x1] =	stream.indirect.gather [hbm4b:s3+s8], $0x80, s13, s8, $0xb8;
	[tilespmem:$0x10200] =	vst v63  }
0x1a: {  	_ =	swait.ge [sflag:s15], $0x4000  }
0x1b: {  	[sflag:s15] =	ssyncset.done $0x0  }
0x1c: {  	[sflag:s15] =	ssyncadd.s32 $0xFFFFC000  }
0x1d: {  	_ =	swait.ge [sflag:s15], $0x4000  }
0x1e: {  	[sflag:s15] =	ssyncset.done $0x0  }
0x1f: {  	[sflag:s15] =	ssyncadd.s32 $0xFFFFC000  }
0x20: {  	_ =	swait.ge [sflag:s15], $0x4000  }
0x21: {  	[sflag:s15] =	ssyncset.done $0x0  }
0x22: {  	[sflag:s15] =	ssyncadd.s32 $0xFFFFC000  }
0x23: {  	_ =	swait.ge [sflag:s15], $0x4000  }
0x24: {  	[sflag:s15] =	ssyncset.done $0x0  }
0x25: {  	[sflag:s15] =	ssyncadd.s32 $0xFFFFC000  }
0x26: {  	[hbm4b:s5+s2] =	stream.linear.scatter [tilespmem:s9], [sflag:$0x2], $0x10000, $0x38;
	[tilespmem:$0x10200] =	vst v63  }
0x27: {  	s18 =	simm.s32 $0x40;
	_ =	swait.ge [sflag:s7], $0x10000  }
0x28: {  	s19 =	simm.s32 $0x80;
	s17 =	sadd.s32 $0x2000, s5;
	[sflag:s7] =	ssyncset.done $0x0  }
.LBB2_2:
0x29: {  	s20 =	sadd.s32 s18, s6  }
0x2a: {  	[sflag:s7] =	ssyncadd.s32 $0xFFFF0000;
	s18 =	smov.u32 s19;
	s21 =	sadd.s32 $0x40, s19  }
0x2b: {  	[tilespmem:s2], [sflag:$0x2] =	stream.linear.gather [hbm4b:s20+s2], $0x200, $0x38;
	[tilespmem:$0x10200] =	vst v63  }
0x2c: {  	p0 =	sne.s32 s19, $0x600;
	_ =	swait.ge [sflag:s7], $0x200  }
0x2d: {  	[sflag:s7] =	ssyncset.done $0x0  }
0x2e: {  	[sflag:s7] =	ssyncadd.s32 $0xFFFFFE00  }
0x2f: {  	[tilespmem:s9], [sflag:$0x1] =	stream.indirect.gather [hbm4b:s3+s8], $0x80, s2, s8, $0xb8;
	[tilespmem:$0x10200] =	vst v63  }
0x30: {  	_ = 	snop  }
0x31: {  	[tilespmem:s10], [sflag:$0x1] =	stream.indirect.gather [hbm4b:s3+s8], $0x80, s8, s8, $0xb8;
	[tilespmem:$0x10200] =	vst v63  }
0x32: {  	_ = 	snop  }
0x33: {  	[tilespmem:s12], [sflag:$0x1] =	stream.indirect.gather [hbm4b:s3+s8], $0x80, s11, s8, $0xb8;
	[tilespmem:$0x10200] =	vst v63  }
0x34: {  	_ = 	snop  }
0x35: {  	[tilespmem:s14], [sflag:$0x1] =	stream.indirect.gather [hbm4b:s3+s8], $0x80, s13, s8, $0xb8;
	[tilespmem:$0x10200] =	vst v63  }
0x36: {  	_ =	swait.ge [sflag:s15], $0x4000  }
0x37: {  	[sflag:s15] =	ssyncset.done $0x0  }
0x38: {  	[sflag:s15] =	ssyncadd.s32 $0xFFFFC000  }
0x39: {  	_ =	swait.ge [sflag:s15], $0x4000  }
0x3a: {  	[sflag:s15] =	ssyncset.done $0x0  }
0x3b: {  	[sflag:s15] =	ssyncadd.s32 $0xFFFFC000  }
0x3c: {  	_ =	swait.ge [sflag:s15], $0x4000  }
0x3d: {  	[sflag:s15] =	ssyncset.done $0x0  }
0x3e: {  	[sflag:s15] =	ssyncadd.s32 $0xFFFFC000  }
0x3f: {  	_ =	swait.ge [sflag:s15], $0x4000  }
.Ltmp0:
0x40: {  	[sflag:s15] =	ssyncset.done $0x0;
	(pc) =	sbr.rel @p0 .LBB2_2-.Ltmp0, $4  }
0x41: {  	[sflag:s15] =	ssyncadd.s32 $0xFFFFC000  }
0x42: {  	[hbm4b:s17+s2] =	stream.linear.scatter [tilespmem:s9], [sflag:$0x2], $0x10000, $0x38;
	[tilespmem:$0x10200] =	vst v63  }
0x43: {  	_ =	swait.ge [sflag:s7], $0x10000  }
0x44: {  	s19 =	smov.u32 s21;
	s17 =	sadd.s32 $0x2000, s17;
	[sflag:s7] =	ssyncset.done $0x0  }
0x45: {  	s18 =	sadd.s32 s18, s6;
	[sflag:s7] =	ssyncadd.s32 $0xFFFF0000  }
0x46: {  	[tilespmem:s2], [sflag:$0x2] =	stream.linear.gather [hbm4b:s18+s2], $0x200, $0x38;
	[tilespmem:$0x10200] =	vst v63  }
0x47: {  	_ =	swait.ge [sflag:s7], $0x200  }
0x48: {  	[sflag:s7] =	ssyncset.done $0x0  }
0x49: {  	[sflag:s7] =	ssyncadd.s32 $0xFFFFFE00  }
0x4a: {  	[tilespmem:s9], [sflag:$0x1] =	stream.indirect.gather [hbm4b:s3+s8], $0x80, s2, s8, $0xb8;
	[tilespmem:$0x10200] =	vst v63  }
0x4b: {  	_ = 	snop  }
0x4c: {  	[tilespmem:s10], [sflag:$0x1] =	stream.indirect.gather [hbm4b:s3+s8], $0x80, s8, s8, $0xb8;
	[tilespmem:$0x10200] =	vst v63  }
0x4d: {  	_ = 	snop  }
0x4e: {  	[tilespmem:s12], [sflag:$0x1] =	stream.indirect.gather [hbm4b:s3+s8], $0x80, s11, s8, $0xb8;
	[tilespmem:$0x10200] =	vst v63  }
0x4f: {  	_ = 	snop  }
0x50: {  	[tilespmem:s14], [sflag:$0x1] =	stream.indirect.gather [hbm4b:s3+s8], $0x80, s13, s8, $0xb8;
	[tilespmem:$0x10200] =	vst v63  }
0x51: {  	_ =	swait.ge [sflag:s15], $0x4000  }
0x52: {  	[sflag:s15] =	ssyncset.done $0x0  }
0x53: {  	[sflag:s15] =	ssyncadd.s32 $0xFFFFC000  }
0x54: {  	_ =	swait.ge [sflag:s15], $0x4000  }
0x55: {  	[sflag:s15] =	ssyncset.done $0x0  }
0x56: {  	[sflag:s15] =	ssyncadd.s32 $0xFFFFC000  }
0x57: {  	_ =	swait.ge [sflag:s15], $0x4000  }
0x58: {  	[sflag:s15] =	ssyncset.done $0x0  }
0x59: {  	[sflag:s15] =	ssyncadd.s32 $0xFFFFC000  }
0x5a: {  	s16 =	sadd.s32 $0x1, s16;
	_ =	swait.ge [sflag:s15], $0x4000  }
0x5b: {  	p0 =	sne.s32 s16, s4;
	[sflag:s15] =	ssyncset.done $0x0  }
.Ltmp1:
0x5c: {  	[sflag:s15] =	ssyncadd.s32 $0xFFFFC000;
	(pc) =	sbr.rel @p0 .LBB2_1-.Ltmp1, $4  }
0x5d: {  	[hbm4b:s17+s2] =	stream.linear.scatter [tilespmem:s9], [sflag:$0x2], $0x10000, $0x38;
	[tilespmem:$0x10200] =	vst v63  }
0x5e: {  	_ =	swait.ge [sflag:s7], $0x10000  }
0x5f: {  	[sflag:s7] =	ssyncset.done $0x0  }
0x60: {  	[sflag:s7] =	ssyncadd.s32 $0xFFFF0000  }
0x61: {  	_ =	sfence.sel $0x180000  }
0x62: {  	[bflag:$0x0] =	sbarrier.arrive $0xFFFF  }
0x63: {  	p0 =	sne.s32 s1, $0x0;
	_ =	strace $0x90000047  }
0x64: {  	s0 =	sadd.s32 @!p0 $0x100000, s0;
	[bflag:$0x2] =	sbarrier.arrive $0xFFFF  }
0x65: {  	[sflag:s0] =	ssyncadd.tile.s32 @!p0 $0x1;
	_ =	shalt  }
.Lfunc_end2:
_tile_overlayer_lowered:
.L_overlay_start_2:
0x66: {  	(tag) =	ssettag $0x2  }
0x67: {  	s0 =	rddreg [dreg:$0x0];
	s2 =	stileid.u32  }
0x68: {  	s1 =	rddreg [dreg:$0x1];
	p0 =	sne.s32 s2, $0x0  }
0x69: {  	s3 =	rddreg [dreg:$0x2];
	[bflag:$0x3] =	sbarrier.arrive $0xFFFF;
	s2 =	simm.s32 @!p0 $0x1C02  }
0x6a: {  	[timem:s3], [sflag:s2] =	dma.local @!p0 [hbm:s0], s1  }
0x6b: {  	s0 =	simm.s32 @!p0 $0x2  }
0x6c: {  	_ =	swait.ge @!p0 [sflag:s0], s1  }
0x6d: {  	s1 =	ssub.s32 @!p0 $0x0, s1;
	[sflag:s0] =	ssyncset.done @!p0 $0x0  }
0x6e: {  	[sflag:s0] =	ssyncadd.s32 @!p0 s1  }
0x6f: {  	[bflag:$0x3] =	sbarrier.arrive $0xFFFF  }
0x70: {  	_ =	shalt  }

</sc_bundles>
